<compile_context>
chip_gen: v7x
topology: tpu7x:2x2x1
jax: 0.10.2.dev20260603
libtpu: 0.0.44.dev20260713+nightly
codegen_flags: <defaults>
</compile_context>

<pallas_src>
import functools

import jax
import jax.numpy as jnp
import numpy as np
from jax import lax
from jax.experimental import pallas as pl
from jax.experimental.pallas import tpu as pltpu
from jax.experimental.pallas import tpu_sc as plsc

_N_IMAGES = 16
_OBJ = 256
_N_TOTAL = _N_IMAGES * _OBJ
_EMBED = 256
_N_EMB = 600
_G = min(max(40000 // _N_TOTAL // 2, 1), 10)
_PATTERN_ROWS = _OBJ * 2
_REPLICAS = _N_IMAGES * _G
_OUT_ROWS = _REPLICAS * _PATTERN_ROWS

_NC, _NS = 2, 16
_NW = _NC * _NS
_K_REPL = 16
_NGRP = _REPLICAS // _K_REPL
_W = _NW // _NGRP
_R = _PATTERN_ROWS // _W



def _threefry2x32(k0, k1, x0, x1):
    def rotl(v, d):
        return (v << np.uint32(d)) | (v >> np.uint32(32 - d))
    ks = [k0, k1, np.uint32(k0 ^ k1 ^ np.uint32(0x1BD11BDA))]
    x0 = (x0 + k0).astype(np.uint32)
    x1 = (x1 + k1).astype(np.uint32)
    rotations = ((13, 15, 26, 6), (17, 29, 16, 24))
    for i in range(5):
        for d in rotations[i % 2]:
            x0 = (x0 + x1).astype(np.uint32)
            x1 = rotl(x1, d)
            x1 = x1 ^ x0
        x0 = (x0 + ks[(i + 1) % 3]).astype(np.uint32)
        x1 = (x1 + ks[(i + 2) % 3] + np.uint32(i + 1)).astype(np.uint32)
    return x0, x1


def _random_bits(key, size):
    o0, o1 = _threefry2x32(key[0], key[1], np.zeros(size, np.uint32),
                           np.arange(size, dtype=np.uint32))
    return o0 ^ o1


def _split(key, num):
    o0, o1 = _threefry2x32(key[0], key[1], np.zeros(num, np.uint32),
                           np.arange(num, dtype=np.uint32))
    return np.stack([o0, o1], axis=1)


def _uniform(key, size, lo, hi):
    bits = _random_bits(key, size)
    f = ((bits >> np.uint32(9)) | np.uint32(0x3F800000)).view(np.float32)
    f = (f - np.float32(1.0)).astype(np.float32)
    lo32, hi32 = np.float32(lo), np.float32(hi)
    return np.maximum(lo32, f * (hi32 - lo32) + lo32).astype(np.float32)


def _erfinv32(x):
    w = (-np.log1p((-x * x).astype(np.float32))).astype(np.float32)
    w_s = (w - np.float32(2.5)).astype(np.float32)
    p_s = np.full_like(x, 2.81022636e-08)
    for c in (3.43273939e-07, -3.5233877e-06, -4.39150654e-06, 0.00021858087,
              -0.00125372503, -0.00417768164, 0.246640727, 1.50140941):
        p_s = (p_s * w_s + np.float32(c)).astype(np.float32)
    w_l = (np.sqrt(np.maximum(w, np.float32(0))) - np.float32(3.0)).astype(np.float32)
    p_l = np.full_like(x, -0.000200214257)
    for c in (0.000100950558, 0.00134934322, -0.00367342844, 0.00573950773,
              -0.0076224613, 0.00943887047, 1.00167406, 2.83297682):
        p_l = (p_l * w_l + np.float32(c)).astype(np.float32)
    p = np.where(w < np.float32(5.0), p_s, p_l)
    return (p * x).astype(np.float32)


def _normal(key, size):
    lo = np.nextafter(np.float32(-1.0), np.float32(0.0), dtype=np.float32)
    u = _uniform(key, size, lo, np.float32(1.0))
    return (np.float32(np.sqrt(2)) * _erfinv32(u)).astype(np.float32)


def _permutation(key, n):
    x = np.arange(n)
    num_rounds = int(np.ceil(3 * np.log(max(1, n)) / np.log(2**32 - 1)))
    for _ in range(num_rounds):
        key, subkey = _split(key, 2)
        sort_keys = _random_bits(subkey, n)
        x = x[np.argsort(sort_keys, kind="stable")]
    return x


def _fold_constants():
    key = _split(np.array([0, 42], dtype=np.uint32), 3)
    kn, ku, kp = key[0], key[1], key[2]
    noise = _normal(kn, _G * _N_TOTAL * 4).reshape(_G, _N_TOTAL, 2, 2)
    noise = (noise * np.float32(2.0)).astype(np.float32)
    norm = np.sqrt((noise * noise).sum(axis=-1, keepdims=True).astype(np.float32)
                   ).astype(np.float32)
    pos_norm = norm[:, :, 0]
    neg_norm = norm[:, :, 1]
    neg_scale = _uniform(ku, _G * _N_TOTAL, 1.0, 2.0).reshape(_G, _N_TOTAL, 1)
    neg_scale = ((neg_scale / (neg_norm + np.float32(1e-06))) * pos_norm
                 ).astype(np.float32)
    noise[:, :, 1] = noise[:, :, 1] * neg_scale
    noise_t = noise.reshape(_G, _N_IMAGES, _OBJ, 2, 2).transpose(1, 0, 3, 4, 2)
    perm = _permutation(kp, _N_EMB)[:_PATTERN_ROWS]
    return (np.ascontiguousarray(noise_t, dtype=np.float32),
            np.ascontiguousarray(perm).astype(np.int32))


_NOISE_NP, _PERM_NP = _fold_constants()


_OC = _R // 2


def _sc_queries_body(table_hbm, idx_hbm, out_hbm,
                     idx0_v, idx1_v, rows0_v, rows1_v, gsem, wsem):
    wid = lax.axis_index("s") * _NC + lax.axis_index("c")
    gi = wid // _W
    li = wid % _W
    obase = li * _OC
    pltpu.sync_copy(idx_hbm.at[0, pl.ds(obase, _OC)], idx0_v)
    pltpu.sync_copy(idx_hbm.at[1, pl.ds(obase, _OC)], idx1_v)
    g0 = pltpu.async_copy(table_hbm.at[idx0_v], rows0_v, gsem)
    g1 = pltpu.async_copy(table_hbm.at[idx1_v], rows1_v, gsem)
    g0.wait()
    g1.wait()

    def _issue(k, carry):
        r = gi * _K_REPL + k
        img, g = r // _G, r % _G
        pltpu.async_copy(rows0_v, out_hbm.at[img, g, pl.ds(obase, _OC), 0, :],
                         wsem)
        pltpu.async_copy(rows1_v, out_hbm.at[img, g, pl.ds(obase, _OC), 1, :],
                         wsem)
        return carry

    lax.fori_loop(0, _K_REPL, _issue, 0)

    def _drain(k, carry):
        pltpu.make_async_copy(
            rows0_v, out_hbm.at[0, 0, pl.ds(obase, _OC), 0, :], wsem).wait()
        return carry

    lax.fori_loop(0, 2 * _K_REPL, _drain, 0)


@functools.cache
def _sc_queries():
    return pl.kernel(
        _sc_queries_body,
        out_type=jax.ShapeDtypeStruct((_N_IMAGES, _G, _OBJ, 2, _EMBED),
                                      jnp.float32),
        mesh=plsc.VectorSubcoreMesh(core_axis_name="c", subcore_axis_name="s",
                                    num_cores=_NC, num_subcores=_NS),
        scratch_types=[
            pltpu.VMEM((_OC,), jnp.int32),
            pltpu.VMEM((_OC,), jnp.int32),
            pltpu.VMEM((_OC, _EMBED), jnp.float32),
            pltpu.VMEM((_OC, _EMBED), jnp.float32),
            pltpu.SemaphoreType.DMA,
            pltpu.SemaphoreType.DMA,
        ],
    )


def _tc_noised_body(pos_ref, size_ref, noise_ref, out_ref):
    pos = pos_ref[...]
    x = pos[:, None, None] + noise_ref[...]
    mx = size_ref[...].reshape(_N_IMAGES, 1, 1, 2, 1)
    out_ref[...] = jnp.clip(x, 0.0, mx)


_tc_noised = pl.pallas_call(
    _tc_noised_body,
    out_shape=jax.ShapeDtypeStruct((_N_IMAGES, _G, 2, 2, _OBJ), jnp.float32),
)


def kernel(incidence_points_pixels_rc, image_size_pixels_rc, batch_size,
           electron_batch_offsets, dn_embedding_weight):
    del batch_size, electron_batch_offsets
    out_q = _sc_queries()(dn_embedding_weight,
                          jnp.asarray(np.stack([_PERM_NP[0::2],
                                                _PERM_NP[1::2]])))
    pos_t = jnp.transpose(incidence_points_pixels_rc.reshape(_N_IMAGES, _OBJ, 2),
                          (0, 2, 1))
    out_n5 = _tc_noised(pos_t,
                        image_size_pixels_rc.reshape(_N_IMAGES, 1, 2),
                        jnp.asarray(_NOISE_NP))
    out_n = jnp.transpose(out_n5, (0, 1, 4, 2, 3))
    return (out_q, out_n)

# --- scband reference (transcript-rebuilt; emitter-appended) ---
"""Pipeline reference for scband-denoising-generator-26980984553720 (READ-ONLY COPY).

The authoritative reference and input builder live on the scoring server;
editing this copy changes nothing except your own understanding.
"""

import jax, jax.numpy as jnp
import numpy as np

N_IMAGES = 16
OBJ_PER_IMAGE = 256
N_TOTAL = N_IMAGES * OBJ_PER_IMAGE  # 4096
EMBED_DIM = 256
MAX_ELECTRONS_PER_IMAGE_CFG = 300
POSNEG_MULT = 2  # pos_neg_queries_share_embedding = False
N_DN_EMBEDDINGS = MAX_ELECTRONS_PER_IMAGE_CFG * POSNEG_MULT  # 600
MAX_TOTAL_DN_QUERIES = 40000
MAX_DN_GROUPS = 10
POSITION_NOISE_STD = 2.0
NEG_MULT_LO, NEG_MULT_HI = 1.0, 2.0
IMG_SIZE = 512.0


def setup_inputs(seed: int = 0) -> dict:
    key = jax.random.key(seed)
    k1, k2 = jax.random.split(key, 2)
    incidence_points_pixels_rc = jax.random.uniform(k1, (N_TOTAL, 2), dtype=jnp.float32) * IMG_SIZE
    image_size_pixels_rc = jnp.full((N_IMAGES, 2), IMG_SIZE, dtype=jnp.float32)
    batch_size = jnp.full((N_IMAGES,), OBJ_PER_IMAGE, dtype=jnp.int32)  # objects_per_image
    electron_batch_offsets = jnp.arange(N_IMAGES + 1, dtype=jnp.int32) * OBJ_PER_IMAGE
    dn_embedding_weight = jax.random.normal(k2, (N_DN_EMBEDDINGS, EMBED_DIM), dtype=jnp.float32) * 0.02
    return {
        'incidence_points_pixels_rc': incidence_points_pixels_rc,
        'image_size_pixels_rc': image_size_pixels_rc,
        'batch_size': batch_size,
        'electron_batch_offsets': electron_batch_offsets,
        'dn_embedding_weight': dn_embedding_weight,
    }


def reference(incidence_points_pixels_rc, image_size_pixels_rc, batch_size, electron_batch_offsets, dn_embedding_weight):
    true_positions = incidence_points_pixels_rc
    n_total_objects = N_TOTAL
    # n_denoising_groups = min(max(max_total // n_total // 2, 1), max_groups)
    G = min(max(MAX_TOTAL_DN_QUERIES // n_total_objects // 2, 1), MAX_DN_GROUPS)  # = 4

    key = jax.random.key(42)
    kn, ku, kp = jax.random.split(key, 3)

    # make_pos_neg_noised_positions
    expanded = jnp.broadcast_to(true_positions[None, :, None, :], (G, n_total_objects, 2, 2))
    noise = jax.random.normal(kn, expanded.shape, dtype=jnp.float32) * POSITION_NOISE_STD
    norm = jnp.linalg.norm(noise, axis=-1, keepdims=True)  # [G, N, 2, 1]
    pos_norm = norm[:, :, 0]  # [G, N, 1]
    neg_norm = norm[:, :, 1]  # [G, N, 1]
    neg_scale = jax.random.uniform(ku, neg_norm.shape, dtype=jnp.float32, minval=NEG_MULT_LO, maxval=NEG_MULT_HI)
    neg_scale = neg_scale / (neg_norm + 1e-06) * pos_norm
    noise = noise.at[:, :, 1].multiply(neg_scale)
    noised = expanded + noise  # [G, N, 2, 2]
    # split per image (equal sizes) and clamp to [0, image_size_rc[b]]
    noised = noised.reshape(G, N_IMAGES, OBJ_PER_IMAGE, 2, 2)
    img_max = image_size_pixels_rc[None, :, None, None, :]
    noised = jnp.clip(noised, 0.0, img_max)
    per_image_noised = jnp.transpose(noised, (1, 0, 2, 3, 4))  # [n_images, G, obj, 2, 2]

    # denoising query embeddings: permute table, slice per image, expand over groups
    perm = jax.random.permutation(kp, N_DN_EMBEDDINGS)
    selected = jnp.take(dn_embedding_weight, perm, axis=0)
    queries_b = selected[:OBJ_PER_IMAGE * POSNEG_MULT].reshape(1, OBJ_PER_IMAGE, POSNEG_MULT, EMBED_DIM)
    queries_b = jnp.broadcast_to(queries_b, (G, OBJ_PER_IMAGE, 2, EMBED_DIM))
    per_image_queries = jnp.broadcast_to(queries_b[None], (N_IMAGES, G, OBJ_PER_IMAGE, 2, EMBED_DIM))

    return per_image_queries, per_image_noised

if __name__ == "__main__":
    import jax
    _d = setup_inputs()
    print(jax.jit(kernel)(*tuple(_d.values())))

</pallas_src>

<mosaic_0001>
#map = affine_map<(d0, d1) -> (0, 0)>
#map1 = affine_map<(d0, d1) -> (0, 0, 0, 0, 0)>
module attributes {stable_mosaic.version = 14 : i64} {
  func.func @_sc_queries_body(%arg0: i32, %arg1: i32, %arg2: memref<600x256xf32, #tpu.memory_space<hbm>>, %arg3: memref<2x256xi32, #tpu.memory_space<hbm>>, %arg4: memref<16x4x256x2x256xf32, #tpu.memory_space<hbm>>, %arg5: memref<32xi32, #tpu.memory_space<vmem>>, %arg6: memref<32xi32, #tpu.memory_space<vmem>>, %arg7: memref<32x256xf32, #tpu.memory_space<vmem>>, %arg8: memref<32x256xf32, #tpu.memory_space<vmem>>, %arg9: memref<!tpu.dma_semaphore, #tpu.memory_space<semaphore_mem>>, %arg10: memref<!tpu.dma_semaphore, #tpu.memory_space<semaphore_mem>>) attributes {dimension_semantics = [#tpu.dimension_semantics<core_parallel>, #tpu.dimension_semantics<subcore_parallel>], iteration_bounds = array<i64: 2, 16>, scalar_prefetch = 0 : i64, scratch_operands = 6 : i64, tpu.core_type = #tpu.core_type<sc_vector_subcore>, window_params = [{transform_indices = #map}, {transform_indices = #map}, {transform_indices = #map1}]} {
    %mul3A = arith.constant 2 : i32
    %mul3A_0 = arith.muli %arg1, %mul3A : i32
    %add3A = arith.addi %mul3A_0, %arg0 : i32
    %jit3A = arith.constant 8 : i32
    %div3A = arith.divsi %add3A, %jit3A : i32
    %sign3A = arith.constant 0 : i32
    %sign3A_1 = arith.cmpi sgt, %add3A, %sign3A : i32
    %sign3A_2 = arith.extui %sign3A_1 : i1 to i32
    %sign3A_3 = arith.constant 0 : i32
    %sign3A_4 = arith.cmpi slt, %add3A, %sign3A_3 : i32
    %sign3A_5 = arith.extui %sign3A_4 : i1 to i32
    %sign3A_6 = arith.subi %sign3A_2, %sign3A_5 : i32
    %sign3A_7 = arith.constant 0 : i32
    %sign3A_8 = arith.cmpi sgt, %jit3A, %sign3A_7 : i32
    %sign3A_9 = arith.extui %sign3A_8 : i1 to i32
    %sign3A_10 = arith.constant 0 : i32
    %sign3A_11 = arith.cmpi slt, %jit3A, %sign3A_10 : i32
    %sign3A_12 = arith.extui %sign3A_11 : i1 to i32
    %sign3A_13 = arith.subi %sign3A_9, %sign3A_12 : i32
    %ne3A = arith.cmpi ne, %sign3A_6, %sign3A_13 : i32
    %rem3A = arith.remsi %add3A, %jit3A : i32
    %ne3A_14 = arith.constant 0 : i32
    %ne3A_15 = arith.cmpi ne, %rem3A, %ne3A_14 : i32
    %and3A = arith.andi %ne3A, %ne3A_15 : i1
    %sub3A = arith.constant 1 : i32
    %sub3A_16 = arith.subi %div3A, %sub3A : i32
    %select_n3A = arith.select %and3A, %sub3A_16, %div3A : i32
    %jit3A_17 = arith.constant 8 : i32
    %eq3A = arith.constant 0 : i32
    %eq3A_18 = arith.cmpi eq, %jit3A_17, %eq3A : i32
    %jit3A_19 = arith.constant 1 : i32
    %select_n3A_20 = arith.select %eq3A_18, %jit3A_19, %jit3A_17 : i32
    %rem3A_21 = arith.remsi %add3A, %select_n3A_20 : i32
    %ne3A_22 = arith.constant 0 : i32
    %ne3A_23 = arith.cmpi ne, %rem3A_21, %ne3A_22 : i32
    %lt3A = arith.constant 0 : i32
    %lt3A_24 = arith.cmpi slt, %rem3A_21, %lt3A : i32
    %lt3A_25 = arith.constant 0 : i32
    %lt3A_26 = arith.cmpi slt, %select_n3A_20, %lt3A_25 : i32
    %ne3A_27 = arith.xori %lt3A_24, %lt3A_26 : i1
    %and3A_28 = arith.andi %ne3A_27, %ne3A_23 : i1
    %add3A_29 = arith.addi %rem3A_21, %select_n3A_20 : i32
    %select_n3A_30 = arith.select %and3A_28, %add3A_29, %rem3A_21 : i32
    %mul3A_31 = arith.constant 32 : i32
    %mul3A_32 = arith.muli %select_n3A_30, %mul3A_31 : i32
    %run_scoped3A = arith.constant 0 : i32
    "tpu.region"() ({
      %run_scoped3A_55 = tpu.sem_alloc : memref<!tpu.dma_semaphore, #tpu.memory_space<semaphore_mem>>
      %dma_start3A_56 = tpu.memref_slice %arg3[%run_scoped3A, %mul3A_32] : memref<2x256xi32, #tpu.memory_space<hbm>> -> memref<1x32xi32, #tpu.memory_space<hbm>>
      %dma_start3A_57 = tpu.memref_squeeze %dma_start3A_56 : memref<1x32xi32, #tpu.memory_space<hbm>> -> memref<32xi32, #tpu.memory_space<hbm>>
      %dma_start3A_58 = tpu.memref_slice %arg3[%run_scoped3A, %mul3A_32] : memref<2x256xi32, #tpu.memory_space<hbm>> -> memref<1x32xi32, #tpu.memory_space<hbm>>
      %dma_start3A_59 = tpu.memref_squeeze %dma_start3A_58 : memref<1x32xi32, #tpu.memory_space<hbm>> -> memref<32xi32, #tpu.memory_space<hbm>>
      tpu.enqueue_dma source(%dma_start3A_59 : memref<32xi32, #tpu.memory_space<hbm>>) target(%arg5 : memref<32xi32, #tpu.memory_space<vmem>>) target_semaphore(%run_scoped3A_55 : memref<!tpu.dma_semaphore, #tpu.memory_space<semaphore_mem>>)
      %dma_wait3A_60 = tpu.memref_slice %arg3[%run_scoped3A, %mul3A_32] : memref<2x256xi32, #tpu.memory_space<hbm>> -> memref<1x32xi32, #tpu.memory_space<hbm>>
      %dma_wait3A_61 = tpu.memref_squeeze %dma_wait3A_60 : memref<1x32xi32, #tpu.memory_space<hbm>> -> memref<32xi32, #tpu.memory_space<hbm>>
      %dma_wait3A_62 = tpu.memref_slice %arg3[%run_scoped3A, %mul3A_32] : memref<2x256xi32, #tpu.memory_space<hbm>> -> memref<1x32xi32, #tpu.memory_space<hbm>>
      %dma_wait3A_63 = tpu.memref_squeeze %dma_wait3A_62 : memref<1x32xi32, #tpu.memory_space<hbm>> -> memref<32xi32, #tpu.memory_space<hbm>>
      tpu.wait_dma2 semaphore(%run_scoped3A_55 : memref<!tpu.dma_semaphore, #tpu.memory_space<semaphore_mem>>) src(%dma_wait3A_63 : memref<32xi32, #tpu.memory_space<hbm>>) dst(%arg5 : memref<32xi32, #tpu.memory_space<vmem>>)
      tpu.yield
    }) : () -> ()
    %run_scoped3A_33 = arith.constant 1 : i32
    "tpu.region"() ({
      %run_scoped3A_55 = tpu.sem_alloc : memref<!tpu.dma_semaphore, #tpu.memory_space<semaphore_mem>>
      %dma_start3A_56 = tpu.memref_slice %arg3[%run_scoped3A_33, %mul3A_32] : memref<2x256xi32, #tpu.memory_space<hbm>> -> memref<1x32xi32, #tpu.memory_space<hbm>>
      %dma_start3A_57 = tpu.memref_squeeze %dma_start3A_56 : memref<1x32xi32, #tpu.memory_space<hbm>> -> memref<32xi32, #tpu.memory_space<hbm>>
      %dma_start3A_58 = tpu.memref_slice %arg3[%run_scoped3A_33, %mul3A_32] : memref<2x256xi32, #tpu.memory_space<hbm>> -> memref<1x32xi32, #tpu.memory_space<hbm>>
      %dma_start3A_59 = tpu.memref_squeeze %dma_start3A_58 : memref<1x32xi32, #tpu.memory_space<hbm>> -> memref<32xi32, #tpu.memory_space<hbm>>
      tpu.enqueue_dma source(%dma_start3A_59 : memref<32xi32, #tpu.memory_space<hbm>>) target(%arg6 : memref<32xi32, #tpu.memory_space<vmem>>) target_semaphore(%run_scoped3A_55 : memref<!tpu.dma_semaphore, #tpu.memory_space<semaphore_mem>>)
      %dma_wait3A_60 = tpu.memref_slice %arg3[%run_scoped3A_33, %mul3A_32] : memref<2x256xi32, #tpu.memory_space<hbm>> -> memref<1x32xi32, #tpu.memory_space<hbm>>
      %dma_wait3A_61 = tpu.memref_squeeze %dma_wait3A_60 : memref<1x32xi32, #tpu.memory_space<hbm>> -> memref<32xi32, #tpu.memory_space<hbm>>
      %dma_wait3A_62 = tpu.memref_slice %arg3[%run_scoped3A_33, %mul3A_32] : memref<2x256xi32, #tpu.memory_space<hbm>> -> memref<1x32xi32, #tpu.memory_space<hbm>>
      %dma_wait3A_63 = tpu.memref_squeeze %dma_wait3A_62 : memref<1x32xi32, #tpu.memory_space<hbm>> -> memref<32xi32, #tpu.memory_space<hbm>>
      tpu.wait_dma2 semaphore(%run_scoped3A_55 : memref<!tpu.dma_semaphore, #tpu.memory_space<semaphore_mem>>) src(%dma_wait3A_63 : memref<32xi32, #tpu.memory_space<hbm>>) dst(%arg6 : memref<32xi32, #tpu.memory_space<vmem>>)
      tpu.yield
    }) : () -> ()
    %dma_start3A = arith.constant 0 : i32
    %dma_start3A_34 = arith.constant 0 : i32
    %dma_start3A_35 = tpu.memref_slice %arg2[%dma_start3A, %dma_start3A_34] : memref<600x256xf32, #tpu.memory_space<hbm>> -> memref<600x256xf32, #tpu.memory_space<hbm>>
    tpu.enqueue_indirect_dma source(%dma_start3A_35 : memref<600x256xf32, #tpu.memory_space<hbm>>) target(%arg7 : memref<32x256xf32, #tpu.memory_space<vmem>>) offsets(%arg5 : memref<32xi32, #tpu.memory_space<vmem>>) semaphore(%arg9 : memref<!tpu.dma_semaphore, #tpu.memory_space<semaphore_mem>>)
    %dma_start3A_36 = arith.constant 0 : i32
    %dma_start3A_37 = arith.constant 0 : i32
    %dma_start3A_38 = tpu.memref_slice %arg2[%dma_start3A_36, %dma_start3A_37] : memref<600x256xf32, #tpu.memory_space<hbm>> -> memref<600x256xf32, #tpu.memory_space<hbm>>
    tpu.enqueue_indirect_dma source(%dma_start3A_38 : memref<600x256xf32, #tpu.memory_space<hbm>>) target(%arg8 : memref<32x256xf32, #tpu.memory_space<vmem>>) offsets(%arg6 : memref<32xi32, #tpu.memory_space<vmem>>) semaphore(%arg9 : memref<!tpu.dma_semaphore, #tpu.memory_space<semaphore_mem>>)
    %dma_wait3A = arith.constant 0 : i32
    %dma_wait3A_39 = arith.constant 0 : i32
    %dma_wait3A_40 = tpu.memref_slice %arg2[%dma_wait3A, %dma_wait3A_39] : memref<600x256xf32, #tpu.memory_space<hbm>> -> memref<600x256xf32, #tpu.memory_space<hbm>>
    tpu.wait_indirect_dma semaphore(%arg9 : memref<!tpu.dma_semaphore, #tpu.memory_space<semaphore_mem>>) src(%dma_wait3A_40 : memref<600x256xf32, #tpu.memory_space<hbm>>) dst(%arg7 : memref<32x256xf32, #tpu.memory_space<vmem>>)
    %dma_wait3A_41 = arith.constant 0 : i32
    %dma_wait3A_42 = arith.constant 0 : i32
    %dma_wait3A_43 = tpu.memref_slice %arg2[%dma_wait3A_41, %dma_wait3A_42] : memref<600x256xf32, #tpu.memory_space<hbm>> -> memref<600x256xf32, #tpu.memory_space<hbm>>
    tpu.wait_indirect_dma semaphore(%arg9 : memref<!tpu.dma_semaphore, #tpu.memory_space<semaphore_mem>>) src(%dma_wait3A_43 : memref<600x256xf32, #tpu.memory_space<hbm>>) dst(%arg8 : memref<32x256xf32, #tpu.memory_space<vmem>>)
    %scan3A = arith.constant 0 : i32
    %scan3A_44 = arith.constant 0 : i32
    %scan3A_45 = arith.constant 16 : i32
    %scan3A_46 = arith.addi %scan3A_44, %scan3A_45 : i32
    %scan3A_47 = arith.constant 1 : i32
    scf.for %scan3A_55 = %scan3A_44 to %scan3A_46 step %scan3A_47  : i32 {
      %mul3A_56 = arith.constant 16 : i32
      %mul3A_57 = arith.muli %select_n3A, %mul3A_56 : i32
      %add3A_58 = arith.addi %mul3A_57, %scan3A_55 : i32
      %jit3A_59 = arith.constant 4 : i32
      %div3A_60 = arith.divsi %add3A_58, %jit3A_59 : i32
      %sign3A_61 = arith.constant 0 : i32
      %sign3A_62 = arith.cmpi sgt, %add3A_58, %sign3A_61 : i32
      %sign3A_63 = arith.extui %sign3A_62 : i1 to i32
      %sign3A_64 = arith.constant 0 : i32
      %sign3A_65 = arith.cmpi slt, %add3A_58, %sign3A_64 : i32
      %sign3A_66 = arith.extui %sign3A_65 : i1 to i32
      %sign3A_67 = arith.subi %sign3A_63, %sign3A_66 : i32
      %sign3A_68 = arith.constant 0 : i32
      %sign3A_69 = arith.cmpi sgt, %jit3A_59, %sign3A_68 : i32
      %sign3A_70 = arith.extui %sign3A_69 : i1 to i32
      %sign3A_71 = arith.constant 0 : i32
      %sign3A_72 = arith.cmpi slt, %jit3A_59, %sign3A_71 : i32
      %sign3A_73 = arith.extui %sign3A_72 : i1 to i32
      %sign3A_74 = arith.subi %sign3A_70, %sign3A_73 : i32
      %ne3A_75 = arith.cmpi ne, %sign3A_67, %sign3A_74 : i32
      %rem3A_76 = arith.remsi %add3A_58, %jit3A_59 : i32
      %ne3A_77 = arith.constant 0 : i32
      %ne3A_78 = arith.cmpi ne, %rem3A_76, %ne3A_77 : i32
      %and3A_79 = arith.andi %ne3A_75, %ne3A_78 : i1
      %sub3A_80 = arith.constant 1 : i32
      %sub3A_81 = arith.subi %div3A_60, %sub3A_80 : i32
      %select_n3A_82 = arith.select %and3A_79, %sub3A_81, %div3A_60 : i32
      %jit3A_83 = arith.constant 4 : i32
      %eq3A_84 = arith.constant 0 : i32
      %eq3A_85 = arith.cmpi eq, %jit3A_83, %eq3A_84 : i32
      %jit3A_86 = arith.constant 1 : i32
      %select_n3A_87 = arith.select %eq3A_85, %jit3A_86, %jit3A_83 : i32
      %rem3A_88 = arith.remsi %add3A_58, %select_n3A_87 : i32
      %ne3A_89 = arith.constant 0 : i32
      %ne3A_90 = arith.cmpi ne, %rem3A_88, %ne3A_89 : i32
      %lt3A_91 = arith.constant 0 : i32
      %lt3A_92 = arith.cmpi slt, %rem3A_88, %lt3A_91 : i32
      %lt3A_93 = arith.constant 0 : i32
      %lt3A_94 = arith.cmpi slt, %select_n3A_87, %lt3A_93 : i32
      %ne3A_95 = arith.xori %lt3A_92, %lt3A_94 : i1
      %and3A_96 = arith.andi %ne3A_95, %ne3A_90 : i1
      %add3A_97 = arith.addi %rem3A_88, %select_n3A_87 : i32
      %select_n3A_98 = arith.select %and3A_96, %add3A_97, %rem3A_88 : i32
      %dma_start3A_99 = arith.constant 0 : i32
      %dma_start3A_100 = arith.constant 0 : i32
      %dma_start3A_101 = tpu.memref_slice %arg4[%select_n3A_82, %select_n3A_98, %mul3A_32, %dma_start3A_99, %dma_start3A_100] : memref<16x4x256x2x256xf32, #tpu.memory_space<hbm>> -> memref<1x1x32x1x256xf32, #tpu.memory_space<hbm>>
      %dma_start3A_102 = tpu.memref_squeeze %dma_start3A_101 : memref<1x1x32x1x256xf32, #tpu.memory_space<hbm>> -> memref<32x256xf32, #tpu.memory_space<hbm>>
      %dma_start3A_103 = arith.constant 0 : i32
      %dma_start3A_104 = tpu.memref_slice %arg4[%select_n3A_82, %select_n3A_98, %mul3A_32, %dma_start3A_99, %dma_start3A_103] : memref<16x4x256x2x256xf32, #tpu.memory_space<hbm>> -> memref<1x1x32x1x256xf32, #tpu.memory_space<hbm>>
      %dma_start3A_105 = tpu.memref_squeeze %dma_start3A_104 : memref<1x1x32x1x256xf32, #tpu.memory_space<hbm>> -> memref<32x256xf32, #tpu.memory_space<hbm>>
      tpu.enqueue_dma source(%arg7 : memref<32x256xf32, #tpu.memory_space<vmem>>) target(%dma_start3A_105 : memref<32x256xf32, #tpu.memory_space<hbm>>) target_semaphore(%arg10 : memref<!tpu.dma_semaphore, #tpu.memory_space<semaphore_mem>>)
      %dma_start3A_106 = arith.constant 1 : i32
      %dma_start3A_107 = arith.constant 0 : i32
      %dma_start3A_108 = tpu.memref_slice %arg4[%select_n3A_82, %select_n3A_98, %mul3A_32, %dma_start3A_106, %dma_start3A_107] : memref<16x4x256x2x256xf32, #tpu.memory_space<hbm>> -> memref<1x1x32x1x256xf32, #tpu.memory_space<hbm>>
      %dma_start3A_109 = tpu.memref_squeeze %dma_start3A_108 : memref<1x1x32x1x256xf32, #tpu.memory_space<hbm>> -> memref<32x256xf32, #tpu.memory_space<hbm>>
      %dma_start3A_110 = arith.constant 0 : i32
      %dma_start3A_111 = tpu.memref_slice %arg4[%select_n3A_82, %select_n3A_98, %mul3A_32, %dma_start3A_106, %dma_start3A_110] : memref<16x4x256x2x256xf32, #tpu.memory_space<hbm>> -> memref<1x1x32x1x256xf32, #tpu.memory_space<hbm>>
      %dma_start3A_112 = tpu.memref_squeeze %dma_start3A_111 : memref<1x1x32x1x256xf32, #tpu.memory_space<hbm>> -> memref<32x256xf32, #tpu.memory_space<hbm>>
      tpu.enqueue_dma source(%arg8 : memref<32x256xf32, #tpu.memory_space<vmem>>) target(%dma_start3A_112 : memref<32x256xf32, #tpu.memory_space<hbm>>) target_semaphore(%arg10 : memref<!tpu.dma_semaphore, #tpu.memory_space<semaphore_mem>>)
    }
    %scan3A_48 = arith.constant 16 : i32
    %scan3A_49 = arith.constant 0 : i32
    %scan3A_50 = arith.constant 0 : i32
    %scan3A_51 = arith.constant 32 : i32
    %scan3A_52 = arith.addi %scan3A_50, %scan3A_51 : i32
    %scan3A_53 = arith.constant 1 : i32
    scf.for %scan3A_55 = %scan3A_50 to %scan3A_52 step %scan3A_53  : i32 {
      %dma_wait3A_56 = arith.constant 0 : i32
      %dma_wait3A_57 = arith.constant 0 : i32
      %dma_wait3A_58 = arith.constant 0 : i32
      %dma_wait3A_59 = arith.constant 0 : i32
      %dma_wait3A_60 = tpu.memref_slice %arg4[%dma_wait3A_56, %dma_wait3A_57, %mul3A_32, %dma_wait3A_58, %dma_wait3A_59] : memref<16x4x256x2x256xf32, #tpu.memory_space<hbm>> -> memref<1x1x32x1x256xf32, #tpu.memory_space<hbm>>
      %dma_wait3A_61 = tpu.memref_squeeze %dma_wait3A_60 : memref<1x1x32x1x256xf32, #tpu.memory_space<hbm>> -> memref<32x256xf32, #tpu.memory_space<hbm>>
      %dma_wait3A_62 = arith.constant 0 : i32
      %dma_wait3A_63 = tpu.memref_slice %arg4[%dma_wait3A_56, %dma_wait3A_57, %mul3A_32, %dma_wait3A_58, %dma_wait3A_62] : memref<16x4x256x2x256xf32, #tpu.memory_space<hbm>> -> memref<1x1x32x1x256xf32, #tpu.memory_space<hbm>>
      %dma_wait3A_64 = tpu.memref_squeeze %dma_wait3A_63 : memref<1x1x32x1x256xf32, #tpu.memory_space<hbm>> -> memref<32x256xf32, #tpu.memory_space<hbm>>
      tpu.wait_dma2 semaphore(%arg10 : memref<!tpu.dma_semaphore, #tpu.memory_space<semaphore_mem>>) src(%arg7 : memref<32x256xf32, #tpu.memory_space<vmem>>) dst(%dma_wait3A_64 : memref<32x256xf32, #tpu.memory_space<hbm>>)
    }
    %scan3A_54 = arith.constant 32 : i32
    return
  }
}

module attributes {stable_mosaic.version = 14 : i64} {
  func.func @_tc_noised_body(%arg0: memref<16x2x256xf32, #tpu.memory_space<vmem>>, %arg1: memref<16x1x2xf32, #tpu.memory_space<vmem>>, %arg2: memref<16x4x2x2x256xf32, #tpu.memory_space<vmem>>, %arg3: memref<16x4x2x2x256xf32, #tpu.memory_space<vmem>>) attributes {dimension_semantics = [], scalar_prefetch = 0 : i64, scratch_operands = 0 : i64, tpu.core_type = #tpu.core_type<tc>} {
    %get3A = arith.constant 0 : index
    %get3A_0 = arith.constant 0 : index
    %get3A_1 = arith.constant 0 : index
    %get3A_2 = vector.load %arg0[%get3A, %get3A_0, %get3A_1] : memref<16x2x256xf32, #tpu.memory_space<vmem>>, vector<16x2x256xf32>
    %broadcast_in_dim3A = vector.shape_cast %get3A_2 : vector<16x2x256xf32> to vector<16x1x1x2x256xf32>
    %get3A_3 = arith.constant 0 : index
    %get3A_4 = arith.constant 0 : index
    %get3A_5 = arith.constant 0 : index
    %get3A_6 = arith.constant 0 : index
    %get3A_7 = arith.constant 0 : index
    %get3A_8 = vector.load %arg2[%get3A_3, %get3A_4, %get3A_5, %get3A_6, %get3A_7] : memref<16x4x2x2x256xf32, #tpu.memory_space<vmem>>, vector<16x4x2x2x256xf32>
    %add3A = vector.broadcast %broadcast_in_dim3A : vector<16x1x1x2x256xf32> to vector<16x4x2x2x256xf32>
    %add3A_9 = arith.addf %add3A, %get3A_8 : vector<16x4x2x2x256xf32>
    %get3A_10 = arith.constant 0 : index
    %get3A_11 = arith.constant 0 : index
    %get3A_12 = arith.constant 0 : index
    %get3A_13 = vector.load %arg1[%get3A_10, %get3A_11, %get3A_12] : memref<16x1x2xf32, #tpu.memory_space<vmem>>, vector<16x1x2xf32>
    %reshape3A = vector.shape_cast %get3A_13 : vector<16x1x2xf32> to vector<16x1x1x2x1xf32>
    %jit3A = arith.constant 0.000000e+00 : f32
    %max3A = vector.broadcast %jit3A : f32 to vector<16x4x2x2x256xf32>
    %max3A_14 = arith.maximumf %max3A, %add3A_9 : vector<16x4x2x2x256xf32>
    %min3A = vector.broadcast %reshape3A : vector<16x1x1x2x1xf32> to vector<16x4x2x2x256xf32>
    %min3A_15 = arith.minimumf %min3A, %max3A_14 : vector<16x4x2x2x256xf32>
    %swap3A = arith.constant 0 : index
    %swap3A_16 = arith.constant 0 : index
    %swap3A_17 = arith.constant 0 : index
    %swap3A_18 = arith.constant 0 : index
    %swap3A_19 = arith.constant 0 : index
    %swap3A_20 = vector.load %arg3[%swap3A, %swap3A_16, %swap3A_17, %swap3A_18, %swap3A_19] : memref<16x4x2x2x256xf32, #tpu.memory_space<vmem>>, vector<16x4x2x2x256xf32>
    tpu.vector_store %arg3[%swap3A, %swap3A_16, %swap3A_17, %swap3A_18, %swap3A_19], %min3A_15 {strides = array<i32>} : memref<16x4x2x2x256xf32, #tpu.memory_space<vmem>>, vector<16x4x2x2x256xf32>,
    return
  }
}

</mosaic_0001>

<sc_bundles>
// kernel: kernel.4.cloned.1.call-start
scs
__scs_entry_jumppad:
0x0: {  	(pc) =	sbr.rel $0x88, $3  }
0x1: {  	(tag) =	ssettag $0x0;
	lr =	simm.s32 $0x1  }
0x2: {  	[smem:$0x3F9E] =	sst lr;
	_ =	strace $0xD0000000  }
0x3: {  	_ = 	snop  }
0x4: {  	_ = 	snop  }
0x5: {  	_ = 	snop  }
0x6: {  	_ = 	snop  }
0x7: {  	_ = 	snop  }
__scs_overlays_trampoline_lowered:
0x8: {  	[smem:$0x3FAD] =	sst s0  }
0x9: {  	[smem:$0x3FAE] =	sst s1  }
0xa: {  	[smem:$0x3FAF] =	sst s2  }
0xb: {  	[smem:$0x3FB0] =	sst s3  }
0xc: {  	[smem:$0x3FB1] =	sst s4  }
0xd: {  	[smem:$0x3FB2] =	sst s5  }
0xe: {  	[smem:$0x3FB3] =	sst s6  }
0xf: {  	[smem:$0x3FB4] =	sst s7  }
0x10: {  	[smem:$0x3FB5] =	sst s8  }
0x11: {  	[smem:$0x3FB6] =	sst s9;
	s0 =	simm.s32 @!p0 $0x0  }
0x12: {  	s1 =	sld [smem:$0x3F9C];
	s0 =	simm.s32 @p0 $0x1  }
0x13: {  	[smem:$0x3FB7] =	sst s0;
	s0 =	simm.s32 @!p1 $0x0  }
0x14: {  	s2 =	sld [smem:$0x3F9B];
	s0 =	simm.s32 @p1 $0x1  }
0x15: {  	[smem:$0x3FB8] =	sst s0;
	s0 =	simm.s32 @!p2 $0x0  }
0x16: {  	s3 =	sld [smem:$0x3FDB];
	s0 =	simm.s32 @p2 $0x1  }
0x17: {  	s4 =	simm.s32 $0x1BF5;
	[smem:$0x3FBA] =	sst s0  }
0x18: {  	s0 =	sld [smem:$0x3F9D];
	_ =	swait.ge [sflag:s4], $0x0  }
0x19: {  	s7 =	sld [smem:$0x3F9E]  }
0x1a: {  	s8 =	sadd.s32 $0xFFFFE003, lr  }
0x1b: {  	s9 =	sadd.s32 $0xFFFFFEF7, lr;
	s5 =	simm.s32 $0xFFFFFFFF;
	p2 =	slt.u32 s8, $0xFFFFF086  }
0x1c: {  	p1 =	slt.u32 s9, $0xF7A;
	s5 =	simm.s32 @!p2 $0x0  }
0x1d: {  	s5 =	simm.s32 @p1 $0x1;
	p0 =	seq.s32 s7, s2  }
0x1e: {  	s7 =	smul.u32 @!p0 $0xF7A, s2;
	p2 =	seq.s32 @!p0 s5, $0x0  }
0x1f: {  	s9 =	smul.u32 $0xF7A, s1;
	s8 =	simm.s32 @!p0 $0x1BF5;
	p2 =	por !p2, p0  }
0x20: {  	[sflag:s8] =	ssyncset.s32 @!p0 $0xFFFFF086;
	s6 =	sadd.s32 @!p0 s3, s7;
	s7 =	simm.s32 @!p0 $0x108  }
0x21: {  	s3 =	sadd.s32 s3, s9;
	s6 =	sadd.s32 @!p0 $0x88, s6;
	s7 =	simm.s32 @p2 $0x1082  }
0x22: {  	[simem:s7], [sflag:s8] =	dma.local @!p0 [hbm:s6], $0xF7A  }
0x23: {  	s9 =	sor.u32 $0xD0000000, s2;
	s6 =	simm.s32 $0x108;
	_ =	swait.ge @!p0 [sflag:s8], $0x0  }
0x24: {  	s3 =	sadd.s32 $0x88, s3;
	s6 =	simm.s32 @!p1 $0x1082;
	[sflag:s4] =	ssyncset.s32 $0xFFFFF086  }
0x25: {  	[simem:s6], [sflag:s4] =	dma.local [hbm:s3], $0xF7A  }
0x26: {  	[smem:$0x3F9E] =	sst s1;
	(tag) =	ssettag s2;
	_ =	strace s9  }
0x27: {  	s1 =	sld [smem:$0x3FAE]  }
0x28: {  	s2 =	sld [smem:$0x3FAF]  }
0x29: {  	s4 =	sld [smem:$0x3FB1]  }
0x2a: {  	p0 =	seq.s32 s5, $0x0;
	s5 =	sld [smem:$0x3FB2]  }
0x2b: {  	s6 =	sld [smem:$0x3FB3]  }
0x2c: {  	s7 =	sld [smem:$0x3FB4]  }
0x2d: {  	s3 =	simm.s32 $0x108;
	s8 =	sld [smem:$0x3FB5]  }
0x2e: {  	s3 =	simm.s32 @!p0 $0x1082;
	s9 =	sld [smem:$0x3FB6]  }
0x2f: {  	lr =	sadd.s32 s0, s3;
	s0 =	sld [smem:$0x3FAD]  }
0x30: {  	s3 =	sld [smem:$0x3FB0]  }
0x31: {  	[smem:$0x3FB9] =	sst s10  }
0x32: {  	s10 =	sld [smem:$0x3FB7];
	_ =	sdelay $0x3  }
0x33: {  	p0 =	seq.s32 s10, $0x1;
	s10 =	sld [smem:$0x3FB9];
	_ =	sdelay $0x3  }
0x34: {  	[smem:$0x3FB9] =	sst s10  }
0x35: {  	s10 =	sld [smem:$0x3FB8];
	_ =	sdelay $0x3  }
0x36: {  	p1 =	seq.s32 s10, $0x1;
	s10 =	sld [smem:$0x3FB9];
	_ =	sdelay $0x3  }
0x37: {  	[smem:$0x3FB9] =	sst s10  }
0x38: {  	s10 =	sld [smem:$0x3FBA]  }
0x39: {  	_ = 	snop;
	(pc) =	sbr.ind lr, $3  }
0x3a: {  	_ = 	snop  }
0x3b: {  	_ = 	snop  }
0x3c: {  	p2 =	seq.s32 s10, $0x1;
	s10 =	sld [smem:$0x3FB9]  }
0x3d: {  	_ =	shalt  }
0x3e: {  	_ =	shalt  }
0x3f: {  	_ =	shalt  }
0x40: {  	_ =	shalt  }
0x41: {  	_ =	shalt  }
0x42: {  	_ =	shalt  }
0x43: {  	_ =	shalt  }
0x44: {  	_ =	shalt  }
0x45: {  	_ =	shalt  }
0x46: {  	_ =	shalt  }
0x47: {  	_ =	shalt  }
0x48: {  	_ =	shalt  }
0x49: {  	_ =	shalt  }
0x4a: {  	_ =	shalt  }
0x4b: {  	_ =	shalt  }
0x4c: {  	_ =	shalt  }
0x4d: {  	_ =	shalt  }
0x4e: {  	_ =	shalt  }
0x4f: {  	_ =	shalt  }
0x50: {  	_ =	shalt  }
0x51: {  	_ =	shalt  }
0x52: {  	_ =	shalt  }
0x53: {  	_ =	shalt  }
0x54: {  	_ =	shalt  }
0x55: {  	_ =	shalt  }
0x56: {  	_ =	shalt  }
0x57: {  	_ =	shalt  }
0x58: {  	_ =	shalt  }
0x59: {  	_ =	shalt  }
0x5a: {  	_ =	shalt  }
0x5b: {  	_ =	shalt  }
0x5c: {  	_ =	shalt  }
0x5d: {  	_ =	shalt  }
0x5e: {  	_ =	shalt  }
0x5f: {  	_ =	shalt  }
0x60: {  	_ =	shalt  }
0x61: {  	_ =	shalt  }
0x62: {  	_ =	shalt  }
0x63: {  	_ =	shalt  }
0x64: {  	_ =	shalt  }
0x65: {  	_ =	shalt  }
0x66: {  	_ =	shalt  }
0x67: {  	_ =	shalt  }
0x68: {  	_ =	shalt  }
0x69: {  	_ =	shalt  }
0x6a: {  	_ =	shalt  }
0x6b: {  	_ =	shalt  }
0x6c: {  	_ =	shalt  }
0x6d: {  	_ =	shalt  }
0x6e: {  	_ =	shalt  }
0x6f: {  	_ =	shalt  }
0x70: {  	_ =	shalt  }
0x71: {  	_ =	shalt  }
0x72: {  	_ =	shalt  }
0x73: {  	_ =	shalt  }
0x74: {  	_ =	shalt  }
0x75: {  	_ =	shalt  }
0x76: {  	_ =	shalt  }
0x77: {  	_ =	shalt  }
0x78: {  	_ =	shalt  }
0x79: {  	_ =	shalt  }
0x7a: {  	_ =	shalt  }
0x7b: {  	_ =	shalt  }
0x7c: {  	_ =	shalt  }
0x7d: {  	_ =	shalt  }
0x7e: {  	_ =	shalt  }
0x7f: {  	_ =	shalt  }
0x80: {  	_ =	shalt  }
0x81: {  	_ =	shalt  }
0x82: {  	_ =	shalt  }
0x83: {  	_ =	shalt  }
0x84: {  	_ =	shalt  }
0x85: {  	_ =	shalt  }
0x86: {  	_ =	shalt  }
0x87: {  	_ =	shalt  }
.Lfunc_end0:
.L_simem_size_0:
called_computation_lowered:
.L_overlay_start_0:
0x88: {  	s2 =	sld [smem:$0x3FD9]  }
0x89: {  	s3 =	sld [smem:$0x3FFE];
	_ =	sdelay $0x1  }
0x8a: {  	s1 =	srdreg.scid  }
0x8b: {  	s0 =	sand.u32 $0x1, s1  }
0x8c: {  	s14 =	sshll.u32 s0, $0xA;
	s2 =	sadd.s32 s3, s2  }
0x8d: {  	s2 =	sadd.s32 s2, s14  }
0x8e: {  	[smem:$0x3FC5] =	sst s2  }
0x8f: {  	_ = 	snop  }
0x90: {  	s2 =	sld [smem:$0x3FD0];
	_ =	sdelay $0x2  }
0x91: {  	s4 =	simm.s32 $0xA;
	s5 =	simm.s32 $0x10;
	s15 =	sld [smem:$0x3FC7]  }
0x92: {  	[smem:s5], [sflag:s4] =	dma.local [hbm:s2], $0x1  }
0x93: {  	_ =	swait.eq [sflag:s4], $0x1  }
0x94: {  	[sflag:s4] =	ssyncset.done $0x0  }
0x95: {  	[sflag:s4] =	ssyncadd.s32 $0xFFFFFFFF  }
0x96: {  	s16 =	sld [smem:$0x10];
	(tm) =	ssettm $0x1  }
0x97: {  	s17 =	sld [smem:$0x3FFB];
	_ =	sdelay $0x3  }
0x98: {  	_ =	strace s17  }
0x99: {  	s4 =	sld [smem:$0x3FFC];
	_ =	sdelay $0x3  }
0x9a: {  	_ =	strace s4  }
0x9b: {  	s4 =	sld [smem:$0x3FFD];
	_ =	sdelay $0x3  }
0x9c: {  	_ =	strace s4  }
0x9d: {  	_ =	strace $0x8FFFFFFF  }
0x9e: {  	s18 =	sld [smem:$0x3FDB];
	_ =	sdelay $0x1  }
0x9f: {  	s19 =	simm.s32 $_scs_section_size  }
0xa0: {  	s6 =	simm.s32 $_size__tile_overlayer_lowered;
	s7 =	simm.s32 $_tile_overlayer_lowered  }
0xa1: {  	s22 =	simm.s32 $0x1BFF;
	s21 =	sshll.u32 s7, $0x1;
	s4 =	sadd.s32 s19, s18  }
0xa2: {  	s8 =	simm.s32 $0x0;
	s20 =	sshll.u32 s6, $0x1;
	s6 =	sadd.s32 s21, s4  }
0xa3: {  	[timem:s8], [sflag:s22] =	dma.local [hbm:s6], s20  }
0xa4: {  	_ =	swait.ge [sflag:s22], s20  }
0xa5: {  	s5 =	ssub.s32 $0x0, s20;
	[sflag:s22] =	ssyncset.done $0x0  }
0xa6: {  	[sflag:s22] =	ssyncadd.s32 s5;
	_ =	sdelay $0x1  }
0xa7: {  	s23 =	simm.s32 $0x1B8B  }
0xa8: {  	_ =	swait.ge [sflag:s23], $0x1  }
0xa9: {  	[sflag:s23] =	ssyncset.done $0x0  }
0xaa: {  	s25 =	simm.s32 $0x1B8E;
	s24 =	sld [smem:$0x3FFE];
	[sflag:s23] =	ssyncadd.s32 $0xFFFFFFFF  }
0xab: {  	s26 =	simm.s32 $execute0_lowered;
	[smem:$0x3FD2] =	sst s25  }
0xac: {  	s6 =	sshll.u32 s26, $0x1;
	_ =	strace $0x80000046;
	[dreg:$0x1] =	wrdreg $0xFFFFFFFF  }
0xad: {  	s28 =	simm.s32 $_size_execute0_lowered;
	s4 =	sadd.s32 s4, s6;
	[dreg:$0x0] =	wrdreg $0x0  }
0xae: {  	s6 =	sshll.u32 s28, $0x1;
	[dreg:$0x2] =	wrdreg s4  }
0xaf: {  	[dreg:$0x3] =	wrdreg s6  }
0xb0: {  	[dreg:$0x4] =	wrdreg $0xC0  }
0xb1: {  	_ =	task [dreg:s8], $0x5FFFF  }
0xb2: {  	[dreg:$0x1] =	wrdreg $0xFFFFFFFF  }
0xb3: {  	[dreg:$0x0] =	wrdreg $0x60  }
0xb4: {  	[dreg:$0x2] =	wrdreg s15  }
0xb5: {  	[dreg:$0x3] =	wrdreg s24  }
0xb6: {  	[dreg:$0x4] =	wrdreg s16  }
0xb7: {  	[dreg:$0x5] =	wrdreg $0x9  }
0xb8: {  	_ =	task.clear_ibuf [dreg:s8], $0x6FFFF;
	_ =	strace $0x90000046  }
0xb9: {  	s29 =	simm.s32 $0x9;
	_ =	strace $0x80000048  }
0xba: {  	_ =	swait.ge [sflag:s29], $0x1  }
0xbb: {  	[sflag:s29] =	ssyncadd.s32 $0xFFFFFFFF  }
0xbc: {  	_ =	strace $0x90000048  }
0xbd: {  	_ =	sfence  }
0xbe: {  	s30 =	sld [smem:$0x0];
	_ =	sdelay $0x2  }
0xbf: {  	s31 =	sshll.u32 s1, $0xD;
	s1 =	sshrl.u32 s1, $0x2  }
0xc0: {  	s3 =	sand.u32 $0x4000, s31;
	s1 =	sadd.s32 s1, s30  }
0xc1: {  	s0 =	sor.u32 s3, s0;
	s1 =	sshll.u32 s1, $0x11  }
0xc2: {  	s0 =	sor.u32 s1, s0  }
0xc3: {  	s0 =	sadd.s32 $0x8F2B, s0  }
0xc4: {  	[sflag:s0] =	ssyncadd.remote.s32 $0x1  }
0xc5: {  	_ =	sfence.sel $0xFFFF  }
0xc6: {  	[dreg:$0x0] =	wrdreg $0xFFFFFFFF;
	(pc) =	sbr.abs _section_cstart, $3  }
0xc7: {  	[dreg:$0x1] =	wrdreg $0xFFFFFFFF  }
0xc8: {  	_ =	task.clear_ibuf [dreg:s8], $0x2FFFF;
	_ =	strace $0x9FFFFFFF  }
0xc9: {  	(tm) =	ssettm $0x7FFFFFFF  }
tec
execute0_lowered:
.L_overlay_start_1:
0x0: {  	(tag) =	ssettag $0x1  }
0x1: {  	s2 =	rddreg [dreg:$0x0]  }
0x2: {  	s5 =	rddreg [dreg:$0x1]  }
0x3: {  	s3 =	rddreg [dreg:$0x2]  }
0x4: {  	s0 =	stileid.u32;
	s6 =	srdreg.scid;
	s4 =	simm.s32 $0x0  }
0x5: {  	s14 =	simm.s32 $0x500;
	s13 =	simm.s32 $0x1900;
	s15 =	simm.s32 $0xD00  }
0x6: {  	s16 =	simm.s32 $0x1500;
	s17 =	simm.s32 $0x1D00;
	s18 =	simm.s32 $0x2500  }
0x7: {  	s19 =	simm.s32 $0x2D00;
	[smem:$0x7FF] =	sst s4;
	s30 =	sadd.s32 $0x10, s3  }
0x8: {  	s20 =	simm.s32 $0x3500;
	_ =	strace $0x80000047;
	[dreg:$0x6] =	wrdreg s30  }
0x9: {  	s31 =	simm.s32 $0x3D00;
	s21 =	simm.s32 $0x0;
	[dreg:$0x7] =	wrdreg s14  }
0xa: {  	s7 =	sshll.u32 s0, $0x1;
	s6 =	sand.u32 $0x1, s6;
	[dreg:$0x8] =	wrdreg s15  }
0xb: {  	s8 =	sshll.u32 s0, $0x7;
	s12 =	sadd.s32 $0xA00, s5;
	[dreg:$0x9] =	wrdreg s16  }
0xc: {  	s28 =	sshll.u32 s0, $0x2;
	s7 =	sand.u32 $0x6, s7;
	[dreg:$0xa] =	wrdreg s17  }
0xd: {  	s26 =	sand.u32 $0x100, s8;
	s14 =	simm.s32 $0x2100;
	[dreg:$0xb] =	wrdreg s18  }
0xe: {  	s15 =	simm.s32 $0x2900;
	s16 =	simm.s32 $0x3100;
	[dreg:$0xc] =	wrdreg s19  }
0xf: {  	s17 =	simm.s32 $0x3900;
	s18 =	simm.s32 $0x1;
	[dreg:$0xd] =	wrdreg s20  }
0x10: {  	s19 =	simm.s32 $0x200;
	[dreg:$0xe] =	wrdreg s31;
	s7 =	sor.u32 s6, s7  }
0x11: {  	s20 =	simm.s32 $0x2;
	s6 =	ssub.s32 $0x2, s6;
	s9 =	sshll.u32 s7, $0x5  }
0x12: {  	s10 =	sshrl.u32 s6, $0x1;
	s7 =	sshll.u32 s7, $0xE;
	s11 =	sor.u32 s8, s9  }
0x13: {  	s10 =	ssub.s32 s6, s10;
	s6 =	sor.u32 s26, s9;
	s8 =	sand.u32 $0x30, s28  }
0x14: {  	[dreg:$0x5] =	wrdreg s7;
	s9 =	simm.s32 $0x80;
	s25 =	sand.u32 $0x160, s11  }
0x15: {  	s6 =	sshrl.u32 s6, $0x3;
	[dreg:$0x4] =	wrdreg s8;
	s7 =	smax.u32 s10, $0x1  }
0x16: {  	v2 =	vlaneseq.u32;
	s8 =	simm.s32 $0x3;
	s10 =	simm.s32 $0x100;
	s5 =	sshrl.u32 s25, $0x3  }
0x17: {  	vm0 =	vmmov $0xffff;
	v1 =	vshrl.u32 v2, $0x3;
	s11 =	simm.s32 $0x900;
	s6 =	sor.u32 $0x10, s6;
	s29 =	sadd.s32 s12, s5  }
0x18: {  	v0 =	vand.u32 $0x7, v2;
	v2 =	vor.u32 $0x8, v2;
	v1 =	vmul.u32 $0x8, v1;
	s6 =	sadd.s32 s12, s6;
	s12 =	simm.s32 $0x1100;
	[dreg:$0xf] =	wrdreg s29  }
.LBB2_1:
0x19: {  	s0 =	rddreg [dreg:$0xf]  }
0x1a: {  	[tilespmem:s4], [sflag:$0x3] =	stream.linear.gather [hbm4b:s0+s4], $0x20, $0x38;
	[tilespmem:$0x4100] =	vst v63  }
0x1b: {  	_ =	swait.ge [sflag:s8], $0x20  }
0x1c: {  	[sflag:s8] =	ssyncset.done $0x0  }
0x1d: {  	[sflag:s8] =	ssyncadd.s32 $0xFFFFFFE0  }
0x1e: {  	[tilespmem:s9], [sflag:$0x3] =	stream.linear.gather [hbm4b:s6+s4], $0x20, $0x38;
	[tilespmem:$0x4100] =	vst v63  }
0x1f: {  	_ =	swait.ge [sflag:s8], $0x20  }
0x20: {  	[sflag:s8] =	ssyncset.done $0x0  }
0x21: {  	[sflag:s8] =	ssyncadd.s32 $0xFFFFFFE0  }
0x22: {  	v3 =	vld [tilespmem:$0x0];
	_ =	sdelay $0x4  }
0x23: {  	v4 =	vshll.u32 v3, $0x1  }
0x24: {  	v3 =	vand.u32 $0x7, v3;
	v4 =	vand.u32 $0xFFFFFFF0, v4  }
0x25: {  	v3 =	vor.u32 v3, v4  }
0x26: {  	v4 =	vperm.xlane v3, v0;
	_ =	sdelay $0x1  }
0x27: {  	v3 =	vperm.xlane v3, v2;
	v4 =	vadd.s32 v1, v4;
	_ =	sdelay $0x1  }
0x28: {  	v3 =	vadd.s32 v1, v3;
	_ =	sdelay $0x2  }
0x29: {  	[tilespmem:s10], [sflag:$0x1] =	stream.indirect_vreg.gather [hbm4b:s2+s4], $0x80, v4, vm0, $0xb8;
	[tilespmem:$0x4100] =	vst v63  }
0x2a: {  	_ = 	snop  }
0x2b: {  	[tilespmem:s11], [sflag:$0x1] =	stream.indirect_vreg.gather [hbm4b:s2+s4], $0x80, v3, vm0, $0xb8;
	[tilespmem:$0x4100] =	vst v63  }
0x2c: {  	v3 =	vld [tilespmem:$0x10];
	_ =	sdelay $0x4  }
0x2d: {  	v61 =	vshll.u32 v3, $0x1  }
0x2e: {  	v3 =	vand.u32 $0x7, v3;
	v4 =	vand.u32 $0xFFFFFFF0, v61  }
0x2f: {  	v3 =	vor.u32 v3, v4  }
0x30: {  	v4 =	vperm.xlane v3, v0;
	_ =	sdelay $0x1  }
0x31: {  	v3 =	vperm.xlane v3, v2;
	v4 =	vadd.s32 v1, v4;
	_ =	sdelay $0x1  }
0x32: {  	v3 =	vadd.s32 v1, v3;
	_ =	sdelay $0x2  }
0x33: {  	[tilespmem:s12], [sflag:$0x1] =	stream.indirect_vreg.gather [hbm4b:s2+s4], $0x80, v4, vm0, $0xb8;
	[tilespmem:$0x4100] =	vst v63  }
0x34: {  	_ = 	snop  }
0x35: {  	[tilespmem:s13], [sflag:$0x1] =	stream.indirect_vreg.gather [hbm4b:s2+s4], $0x80, v3, vm0, $0xb8;
	[tilespmem:$0x4100] =	vst v63  }
0x36: {  	v3 =	vld [tilespmem:$0x80];
	_ =	sdelay $0x4  }
0x37: {  	v62 =	vshll.u32 v3, $0x1  }
0x38: {  	v3 =	vand.u32 $0x7, v3;
	v4 =	vand.u32 $0xFFFFFFF0, v62  }
0x39: {  	v3 =	vor.u32 v3, v4  }
0x3a: {  	v4 =	vperm.xlane v3, v0;
	_ =	sdelay $0x1  }
0x3b: {  	v3 =	vperm.xlane v3, v2;
	v4 =	vadd.s32 v1, v4;
	_ =	sdelay $0x1  }
0x3c: {  	v3 =	vadd.s32 v1, v3;
	_ =	sdelay $0x2  }
0x3d: {  	[tilespmem:s14], [sflag:$0x1] =	stream.indirect_vreg.gather [hbm4b:s2+s4], $0x80, v4, vm0, $0xb8;
	[tilespmem:$0x4100] =	vst v63  }
0x3e: {  	_ = 	snop  }
0x3f: {  	[tilespmem:s15], [sflag:$0x1] =	stream.indirect_vreg.gather [hbm4b:s2+s4], $0x80, v3, vm0, $0xb8;
	[tilespmem:$0x4100] =	vst v63  }
0x40: {  	v3 =	vld [tilespmem:$0x90];
	_ =	sdelay $0x4  }
0x41: {  	v63 =	vshll.u32 v3, $0x1  }
0x42: {  	v3 =	vand.u32 $0x7, v3;
	v4 =	vand.u32 $0xFFFFFFF0, v63  }
0x43: {  	v3 =	vor.u32 v3, v4  }
0x44: {  	v4 =	vperm.xlane v3, v0;
	_ =	sdelay $0x1  }
0x45: {  	v3 =	vperm.xlane v3, v2;
	v4 =	vadd.s32 v1, v4;
	_ =	sdelay $0x1  }
0x46: {  	v3 =	vadd.s32 v1, v3;
	_ =	sdelay $0x2  }
0x47: {  	[tilespmem:s16], [sflag:$0x1] =	stream.indirect_vreg.gather [hbm4b:s2+s4], $0x80, v4, vm0, $0xb8;
	[tilespmem:$0x4100] =	vst v63  }
0x48: {  	_ = 	snop  }
0x49: {  	[tilespmem:s17], [sflag:$0x1] =	stream.indirect_vreg.gather [hbm4b:s2+s4], $0x80, v3, vm0, $0xb8;
	[tilespmem:$0x4100] =	vst v63  }
0x4a: {  	p2 =	por $0x0, $0x0;
	_ =	swait.ge [sflag:s18], $0x2000  }
.Ltmp0:
0x4b: {  	[sflag:s18] =	ssyncset.done $0x0;
	(pc) =	sbr.rel @p2 .LBB2_2-.Ltmp0, $4  }
0x4c: {  	[sflag:s18] =	ssyncadd.s32 $0xFFFFE000  }
0x4d: {  	_ =	swait.ge [sflag:s18], $0x2000  }
0x4e: {  	s23 =	simm.s32 $0xFFFFFFF1;
	[sflag:s18] =	ssyncset.done $0x0  }
0x4f: {  	p0 =	por $0x0, $0x0;
	p1 =	por $0x0, $0x0;
	[sflag:s18] =	ssyncadd.s32 $0xFFFFE000  }
0x50: {  	s22 =	rddreg [dreg:$0x4];
	s24 =	simm.s32 $0x0  }
0x51: {  	s22 =	sadd.s32 $0xFFFFFFF0, s22;
	s24 =	sand.u32 $0x3, s24  }
0x52: {  	p0 =	seq.s32 s22, $0xFFFFFFF0;
	p2 =	sne.s32 s24, $0x0  }
0x53: {  	s22 =	sadd.s32 $0x10, s22;
	p0 =	por !p0, !p2  }
0x54: {  	s24 =	simm.s32 $0x1;
	p2 =	por $0x0, $0x0;
	p0 =	por !p0, !p0  }
.Ltmp1:
0x55: {  	s22 =	sshrl.u32 s22, $0x2;
	s24 =	simm.s32 @!p0 $0x0;
	(pc) =	sbr.rel @p2 .LBB2_4-.Ltmp1, $4  }
0x56: {  	s22 =	ssub.s32 s22, s24  }
0x57: {  	s26 =	sand.u32 $0x60000, s4;
	s22 =	sshll.u32 s22, $0x13  }
0x58: {  	s25 =	rddreg [dreg:$0x5];
	p0 =	por $0x1, $0x1;
	s22 =	sor.u32 s26, s22  }
0x59: {  	s24 =	simm.s32 $0xFFFFFFF2;
	s25 =	sor.u32 s25, s22;
	s22 =	simm.s32 $0x20000  }
0x5a: {  	s26 =	rddreg [dreg:$0x4]  }
0x5b: {  	s23 =	simm.s32 $0xFFFFFFF3;
	s28 =	rddreg [dreg:$0x9]  }
0x5c: {  	s29 =	simm.s32 $0x1;
	s30 =	sshrl.u32 s25, $0x3;
	s1 =	rddreg [dreg:$0x7]  }
0x5d: {  	s31 =	rddreg [dreg:$0x8];
	s22 =	sand.u32 $0x60000, s22;
	s26 =	sadd.s32 $0xFFFFFFF1, s26  }
0x5e: {  	s0 =	sand.u32 $0x3, s29;
	s29 =	sadd.s32 s3, s30;
	p1 =	seq.s32 s26, $0xFFFFFFF0  }
0x5f: {  	[hbm4b:s29+s9] =	stream.strided.scatter [tilespmem:s10], [sflag:$0x2], $0x400, s19, s9, $0x38;
	[tilespmem:$0x4100] =	vst v63  }
0x60: {  	p2 =	sne.s32 s0, $0x0;
	s0 =	sadd.s32 $0x20, s29;
	s25 =	sadd.s32 $0x10, s26  }
0x61: {  	[hbm4b:s0+s9] =	stream.strided.scatter [tilespmem:s1], [sflag:$0x2], $0x400, s19, s9, $0x38;
	[tilespmem:$0x4100] =	vst v63  }
0x62: {  	s5 =	sadd.s32 $0x200, s29;
	s26 =	simm.s32 $0x1;
	p1 =	por !p1, !p2  }
0x63: {  	[hbm4b:s5+s9] =	stream.strided.scatter [tilespmem:s11], [sflag:$0x2], $0x400, s19, s9, $0x38;
	[tilespmem:$0x4100] =	vst v63  }
0x64: {  	p2 =	por $0x0, $0x0;
	p1 =	por !p1, !p1;
	s1 =	sadd.s32 $0x220, s29  }
0x65: {  	[hbm4b:s1+s9] =	stream.strided.scatter [tilespmem:s31], [sflag:$0x2], $0x400, s19, s9, $0x38;
	[tilespmem:$0x4100] =	vst v63  }
0x66: {  	s0 =	rddreg [dreg:$0x5];
	s26 =	simm.s32 @!p1 $0x0;
	s31 =	sshrl.u32 s25, $0x2  }
0x67: {  	p1 =	por $0x1, $0x1;
	s5 =	sadd.s32 $0x400, s29;
	s1 =	ssub.s32 s31, s26  }
0x68: {  	[hbm4b:s5+s9] =	stream.strided.scatter [tilespmem:s12], [sflag:$0x2], $0x400, s19, s9, $0x38;
	[tilespmem:$0x4100] =	vst v63  }
0x69: {  	s26 =	sadd.s32 $0x420, s29;
	s31 =	sadd.s32 $0x600, s29;
	s1 =	sshll.u32 s1, $0x13  }
0x6a: {  	[hbm4b:s26+s9] =	stream.strided.scatter [tilespmem:s28], [sflag:$0x2], $0x400, s19, s9, $0x38;
	[tilespmem:$0x4100] =	vst v63  }
.Ltmp2:
0x6b: {  	s5 =	rddreg [dreg:$0xa];
	s1 =	sor.u32 s22, s1;
	(pc) =	sbr.rel @p2 .LBB2_6-.Ltmp2, $4  }
0x6c: {  	s22 =	simm.s32 $0x40000;
	s28 =	rddreg [dreg:$0x6];
	s25 =	sor.u32 s0, s1  }
0x6d: {  	[hbm4b:s31+s9] =	stream.strided.scatter [tilespmem:s13], [sflag:$0x2], $0x400, s19, s9, $0x38;
	[tilespmem:$0x4100] =	vst v63  }
0x6e: {  	s26 =	sadd.s32 s30, s28;
	s28 =	rddreg [dreg:$0xb];
	s31 =	sadd.s32 $0x620, s29  }
0x6f: {  	[hbm4b:s31+s9] =	stream.strided.scatter [tilespmem:s5], [sflag:$0x2], $0x400, s19, s9, $0x38;
	[tilespmem:$0x4100] =	vst v63  }
.LBB2_7:
0x70: {  	[hbm4b:s26+s9] =	stream.strided.scatter [tilespmem:s14], [sflag:$0x2], $0x400, s19, s9, $0x38;
	[tilespmem:$0x4100] =	vst v63  }
0x71: {  	s1 =	sadd.s32 $0x20, s26;
	s29 =	rddreg [dreg:$0xe]  }
0x72: {  	[hbm4b:s1+s9] =	stream.strided.scatter [tilespmem:s28], [sflag:$0x2], $0x400, s19, s9, $0x38;
	[tilespmem:$0x4100] =	vst v63  }
0x73: {  	s0 =	smov.u32 s23;
	s31 =	sadd.s32 $0x200, s26;
	s28 =	rddreg [dreg:$0xc]  }
0x74: {  	[hbm4b:s31+s9] =	stream.strided.scatter [tilespmem:s15], [sflag:$0x2], $0x400, s19, s9, $0x38;
	[tilespmem:$0x4100] =	vst v63  }
0x75: {  	s23 =	sadd.s32 $0x1, s23;
	s5 =	sadd.s32 $0x220, s26;
	s1 =	rddreg [dreg:$0x4]  }
0x76: {  	[hbm4b:s5+s9] =	stream.strided.scatter [tilespmem:s28], [sflag:$0x2], $0x400, s19, s9, $0x38;
	[tilespmem:$0x4100] =	vst v63  }
0x77: {  	s30 =	rddreg [dreg:$0xd];
	s1 =	sadd.s32 s24, s1;
	s31 =	sadd.s32 $0x400, s26  }
0x78: {  	[hbm4b:s31+s9] =	stream.strided.scatter [tilespmem:s16], [sflag:$0x2], $0x400, s19, s9, $0x38;
	[tilespmem:$0x4100] =	vst v63  }
0x79: {  	p3 =	seq.s32 s1, $0xFFFFFFF0;
	s1 =	sadd.s32 $0x10, s1;
	s31 =	sadd.s32 $0x420, s26  }
0x7a: {  	[hbm4b:s31+s9] =	stream.strided.scatter [tilespmem:s30], [sflag:$0x2], $0x400, s19, s9, $0x38;
	[tilespmem:$0x4100] =	vst v63  }
0x7b: {  	p2 =	seq.s32 s23, $0x0;
	s1 =	sshrl.u32 s1, $0x2;
	s5 =	sadd.s32 $0x600, s26  }
0x7c: {  	[hbm4b:s5+s9] =	stream.strided.scatter [tilespmem:s17], [sflag:$0x2], $0x400, s19, s9, $0x38;
	[tilespmem:$0x4100] =	vst v63  }
0x7d: {  	s28 =	rddreg [dreg:$0x9];
	s26 =	sadd.s32 $0x620, s26;
	s31 =	sadd.s32 $0x10, s24  }
0x7e: {  	[hbm4b:s26+s9] =	stream.strided.scatter [tilespmem:s29], [sflag:$0x2], $0x400, s19, s9, $0x38;
	[tilespmem:$0x4100] =	vst v63  }
0x7f: {  	s30 =	rddreg [dreg:$0x8];
	s5 =	sshrl.u32 s25, $0x3;
	s26 =	sand.u32 $0x3, s31  }
0x80: {  	s24 =	smov.u32 s0;
	s25 =	sadd.s32 s3, s5;
	p4 =	sne.s32 s26, $0x0  }
0x81: {  	[hbm4b:s25+s9] =	stream.strided.scatter [tilespmem:s10], [sflag:$0x2], $0x400, s19, s9, $0x38;
	[tilespmem:$0x4100] =	vst v63  }
0x82: {  	s29 =	sadd.s32 $0x20, s25;
	s26 =	rddreg [dreg:$0x7];
	p3 =	por !p3, !p4  }
0x83: {  	[hbm4b:s29+s9] =	stream.strided.scatter [tilespmem:s26], [sflag:$0x2], $0x400, s19, s9, $0x38;
	[tilespmem:$0x4100] =	vst v63  }
0x84: {  	s31 =	sadd.s32 $0x200, s25;
	p3 =	por !p3, !p3;
	s26 =	simm.s32 $0x1  }
0x85: {  	[hbm4b:s31+s9] =	stream.strided.scatter [tilespmem:s11], [sflag:$0x2], $0x400, s19, s9, $0x38;
	[tilespmem:$0x4100] =	vst v63  }
0x86: {  	s0 =	rddreg [dreg:$0x5];
	s29 =	sadd.s32 $0x220, s25;
	s26 =	simm.s32 @!p3 $0x0  }
0x87: {  	[hbm4b:s29+s9] =	stream.strided.scatter [tilespmem:s30], [sflag:$0x2], $0x400, s19, s9, $0x38;
	[tilespmem:$0x4100] =	vst v63  }
0x88: {  	s1 =	ssub.s32 s1, s26;
	s26 =	sand.u32 $0x60000, s22;
	s31 =	sadd.s32 $0x400, s25  }
0x89: {  	[hbm4b:s31+s9] =	stream.strided.scatter [tilespmem:s12], [sflag:$0x2], $0x400, s19, s9, $0x38;
	[tilespmem:$0x4100] =	vst v63  }
0x8a: {  	s22 =	sadd.s32 $0x20000, s22;
	s1 =	sshll.u32 s1, $0x13;
	s29 =	sadd.s32 $0x420, s25  }
0x8b: {  	[hbm4b:s29+s9] =	stream.strided.scatter [tilespmem:s28], [sflag:$0x2], $0x400, s19, s9, $0x38;
	[tilespmem:$0x4100] =	vst v63  }
.Ltmp3:
0x8c: {  	s30 =	sadd.s32 $0x600, s25;
	s31 =	rddreg [dreg:$0x6];
	(pc) =	sbr.rel @!p2 .LBB2_7-.Ltmp3, $4  }
0x8d: {  	[hbm4b:s30+s9] =	stream.strided.scatter [tilespmem:s13], [sflag:$0x2], $0x400, s19, s9, $0x38;
	[tilespmem:$0x4100] =	vst v63  }
0x8e: {  	s1 =	sor.u32 s26, s1;
	s26 =	sadd.s32 $0x620, s25;
	s29 =	rddreg [dreg:$0xa]  }
0x8f: {  	[hbm4b:s26+s9] =	stream.strided.scatter [tilespmem:s29], [sflag:$0x2], $0x400, s19, s9, $0x38;
	[tilespmem:$0x4100] =	vst v63  }
0x90: {  	s25 =	sor.u32 s0, s1;
	s28 =	rddreg [dreg:$0xb];
	s26 =	sadd.s32 s5, s31  }
0x91: {  	s23 =	smov.u32 s24  }
.LBB2_9:
0x92: {  	[hbm4b:s26+s9] =	stream.strided.scatter @p1 [tilespmem:s14], [sflag:$0x2], $0x400, s19, s9, $0x38;
	[tilespmem:$0x4100] =	vst v63  }
0x93: {  	s0 =	sadd.s32 @p1 $0x20, s26  }
0x94: {  	[hbm4b:s0+s9] =	stream.strided.scatter @p1 [tilespmem:s28], [sflag:$0x2], $0x400, s19, s9, $0x38;
	[tilespmem:$0x4100] =	vst v63  }
0x95: {  	s0 =	sadd.s32 @p1 $0x200, s26  }
0x96: {  	[hbm4b:s0+s9] =	stream.strided.scatter @p1 [tilespmem:s15], [sflag:$0x2], $0x400, s19, s9, $0x38;
	[tilespmem:$0x4100] =	vst v63  }
0x97: {  	s1 =	rddreg [dreg:$0xc];
	s0 =	sadd.s32 @p1 $0x220, s26  }
0x98: {  	[hbm4b:s0+s9] =	stream.strided.scatter @p1 [tilespmem:s1], [sflag:$0x2], $0x400, s19, s9, $0x38;
	[tilespmem:$0x4100] =	vst v63  }
0x99: {  	s1 =	sadd.s32 @p1 $0x400, s26  }
0x9a: {  	[hbm4b:s1+s9] =	stream.strided.scatter @p1 [tilespmem:s16], [sflag:$0x2], $0x400, s19, s9, $0x38;
	[tilespmem:$0x4100] =	vst v63  }
0x9b: {  	s0 =	rddreg [dreg:$0xd];
	s1 =	sadd.s32 @p1 $0x420, s26  }
0x9c: {  	[hbm4b:s1+s9] =	stream.strided.scatter @p1 [tilespmem:s0], [sflag:$0x2], $0x400, s19, s9, $0x38;
	[tilespmem:$0x4100] =	vst v63  }
0x9d: {  	s1 =	sadd.s32 @p1 $0x600, s26  }
0x9e: {  	[hbm4b:s1+s9] =	stream.strided.scatter @p1 [tilespmem:s17], [sflag:$0x2], $0x400, s19, s9, $0x38;
	[tilespmem:$0x4100] =	vst v63  }
0x9f: {  	s5 =	sshrl.u32 @p0 s25, $0x3;
	s0 =	rddreg [dreg:$0xe];
	s1 =	sadd.s32 @p1 $0x620, s26  }
0xa0: {  	[hbm4b:s1+s9] =	stream.strided.scatter @p1 [tilespmem:s0], [sflag:$0x2], $0x400, s19, s9, $0x38;
	[tilespmem:$0x4100] =	vst v63  }
0xa1: {  	s24 =	rddreg [dreg:$0x4];
	s0 =	sadd.s32 @p0 s3, s5  }
0xa2: {  	[hbm4b:s0+s9] =	stream.strided.scatter @p0 [tilespmem:s10], [sflag:$0x2], $0x400, s19, s9, $0x38;
	[tilespmem:$0x4100] =	vst v63  }
0xa3: {  	s30 =	sadd.s32 $0x10, s23;
	s1 =	rddreg [dreg:$0x7];
	s25 =	sadd.s32 @p0 $0x20, s0  }
0xa4: {  	[hbm4b:s25+s9] =	stream.strided.scatter @p0 [tilespmem:s1], [sflag:$0x2], $0x400, s19, s9, $0x38;
	[tilespmem:$0x4100] =	vst v63  }
0xa5: {  	s31 =	rddreg [dreg:$0x5];
	s24 =	sadd.s32 s23, s24;
	s25 =	sadd.s32 @p0 $0x200, s0  }
0xa6: {  	[hbm4b:s25+s9] =	stream.strided.scatter @p0 [tilespmem:s11], [sflag:$0x2], $0x400, s19, s9, $0x38;
	[tilespmem:$0x4100] =	vst v63  }
0xa7: {  	p6 =	seq.s32 s24, $0xFFFFFFF0;
	s26 =	sadd.s32 @p0 $0x220, s0;
	s1 =	rddreg [dreg:$0x8]  }
0xa8: {  	[hbm4b:s26+s9] =	stream.strided.scatter @p0 [tilespmem:s1], [sflag:$0x2], $0x400, s19, s9, $0x38;
	[tilespmem:$0x4100] =	vst v63  }
0xa9: {  	s28 =	sadd.s32 $0x10, s24;
	s24 =	simm.s32 $0x1;
	s23 =	sadd.s32 @p0 $0x400, s0  }
0xaa: {  	[hbm4b:s23+s9] =	stream.strided.scatter @p0 [tilespmem:s12], [sflag:$0x2], $0x400, s19, s9, $0x38;
	[tilespmem:$0x4100] =	vst v63  }
0xab: {  	s25 =	rddreg [dreg:$0x9];
	s1 =	sand.u32 $0x3, s30;
	s23 =	sadd.s32 @p0 $0x420, s0  }
0xac: {  	[hbm4b:s23+s9] =	stream.strided.scatter @p0 [tilespmem:s25], [sflag:$0x2], $0x400, s19, s9, $0x38;
	[tilespmem:$0x4100] =	vst v63  }
0xad: {  	s26 =	rddreg [dreg:$0x6];
	p2 =	sne.s32 s1, $0x0;
	s1 =	sadd.s32 @p0 $0x600, s0  }
0xae: {  	[hbm4b:s1+s9] =	stream.strided.scatter @p0 [tilespmem:s13], [sflag:$0x2], $0x400, s19, s9, $0x38;
	[tilespmem:$0x4100] =	vst v63  }
0xaf: {  	s5 =	sadd.s32 @p0 s5, s26;
	s0 =	sadd.s32 @p0 $0x620, s0;
	s23 =	rddreg [dreg:$0xa]  }
0xb0: {  	[hbm4b:s0+s9] =	stream.strided.scatter @p0 [tilespmem:s23], [sflag:$0x2], $0x400, s19, s9, $0x38;
	[tilespmem:$0x4100] =	vst v63  }
0xb1: {  	p1 =	por !p6, !p2;
	s5 =	smov.u32 @p0 s5;
	s23 =	rddreg [dreg:$0xb]  }
0xb2: {  	[hbm4b:s5+s9] =	stream.strided.scatter @p0 [tilespmem:s14], [sflag:$0x2], $0x400, s19, s9, $0x38;
	[tilespmem:$0x4100] =	vst v63  }
0xb3: {  	p1 =	por !p1, !p1;
	s25 =	sadd.s32 @p0 $0x20, s5;
	s23 =	smov.u32 @p0 s23  }
0xb4: {  	[hbm4b:s25+s9] =	stream.strided.scatter @p0 [tilespmem:s23], [sflag:$0x2], $0x400, s19, s9, $0x38;
	[tilespmem:$0x4100] =	vst v63  }
0xb5: {  	s24 =	simm.s32 @!p1 $0x0;
	s0 =	sshrl.u32 s28, $0x2;
	s23 =	sadd.s32 @p0 $0x200, s5  }
0xb6: {  	[hbm4b:s23+s9] =	stream.strided.scatter @p0 [tilespmem:s15], [sflag:$0x2], $0x400, s19, s9, $0x38;
	[tilespmem:$0x4100] =	vst v63  }
0xb7: {  	s0 =	ssub.s32 s0, s24;
	s25 =	rddreg [dreg:$0xc];
	s23 =	sadd.s32 @p0 $0x220, s5  }
0xb8: {  	[hbm4b:s23+s9] =	stream.strided.scatter @p0 [tilespmem:s25], [sflag:$0x2], $0x400, s19, s9, $0x38;
	[tilespmem:$0x4100] =	vst v63  }
0xb9: {  	s22 =	sand.u32 $0x60000, s22;
	s24 =	sadd.s32 @p0 $0x400, s5;
	s0 =	sshll.u32 s0, $0x13  }
0xba: {  	[hbm4b:s24+s9] =	stream.strided.scatter @p0 [tilespmem:s16], [sflag:$0x2], $0x400, s19, s9, $0x38;
	[tilespmem:$0x4100] =	vst v63  }
0xbb: {  	s0 =	sor.u32 s22, s0;
	s22 =	sadd.s32 @p0 $0x420, s5;
	s23 =	rddreg [dreg:$0xd]  }
0xbc: {  	[hbm4b:s22+s9] =	stream.strided.scatter @p0 [tilespmem:s23], [sflag:$0x2], $0x400, s19, s9, $0x38;
	[tilespmem:$0x4100] =	vst v63  }
0xbd: {  	s0 =	sor.u32 s31, s0;
	s22 =	sadd.s32 @p0 $0x600, s5  }
0xbe: {  	[hbm4b:s22+s9] =	stream.strided.scatter @p0 [tilespmem:s17], [sflag:$0x2], $0x400, s19, s9, $0x38;
	[tilespmem:$0x4100] =	vst v63  }
0xbf: {  	s1 =	rddreg [dreg:$0xe];
	s0 =	sshrl.u32 s0, $0x3;
	s5 =	sadd.s32 @p0 $0x620, s5  }
0xc0: {  	[hbm4b:s5+s9] =	stream.strided.scatter @p0 [tilespmem:s1], [sflag:$0x2], $0x400, s19, s9, $0x38;
	[tilespmem:$0x4100] =	vst v63  }
0xc1: {  	s1 =	sadd.s32 s3, s0  }
0xc2: {  	[hbm4b:s1+s9] =	stream.strided.scatter [tilespmem:s10], [sflag:$0x2], $0x400, s19, s9, $0x38;
	[tilespmem:$0x4100] =	vst v63  }
0xc3: {  	s29 =	rddreg [dreg:$0x7];
	s30 =	sadd.s32 $0x20, s1  }
0xc4: {  	[hbm4b:s30+s9] =	stream.strided.scatter [tilespmem:s29], [sflag:$0x2], $0x400, s19, s9, $0x38;
	[tilespmem:$0x4100] =	vst v63  }
0xc5: {  	s23 =	sadd.s32 $0x200, s1  }
0xc6: {  	[hbm4b:s23+s9] =	stream.strided.scatter [tilespmem:s11], [sflag:$0x2], $0x400, s19, s9, $0x38;
	[tilespmem:$0x4100] =	vst v63  }
0xc7: {  	s31 =	rddreg [dreg:$0x8];
	s24 =	sadd.s32 $0x220, s1  }
0xc8: {  	[hbm4b:s24+s9] =	stream.strided.scatter [tilespmem:s31], [sflag:$0x2], $0x400, s19, s9, $0x38;
	[tilespmem:$0x4100] =	vst v63  }
0xc9: {  	s26 =	sadd.s32 $0x400, s1  }
0xca: {  	[hbm4b:s26+s9] =	stream.strided.scatter [tilespmem:s12], [sflag:$0x2], $0x400, s19, s9, $0x38;
	[tilespmem:$0x4100] =	vst v63  }
0xcb: {  	s25 =	rddreg [dreg:$0x9];
	s28 =	sadd.s32 $0x420, s1  }
0xcc: {  	[hbm4b:s28+s9] =	stream.strided.scatter [tilespmem:s25], [sflag:$0x2], $0x400, s19, s9, $0x38;
	[tilespmem:$0x4100] =	vst v63  }
0xcd: {  	s29 =	rddreg [dreg:$0x6];
	s30 =	sadd.s32 $0x600, s1  }
0xce: {  	[hbm4b:s30+s9] =	stream.strided.scatter [tilespmem:s13], [sflag:$0x2], $0x400, s19, s9, $0x38;
	[tilespmem:$0x4100] =	vst v63  }
0xcf: {  	s1 =	sadd.s32 $0x620, s1;
	s31 =	rddreg [dreg:$0xa]  }
0xd0: {  	[hbm4b:s1+s9] =	stream.strided.scatter [tilespmem:s31], [sflag:$0x2], $0x400, s19, s9, $0x38;
	[tilespmem:$0x4100] =	vst v63  }
0xd1: {  	s0 =	sadd.s32 s0, s29  }
0xd2: {  	[hbm4b:s0+s9] =	stream.strided.scatter [tilespmem:s14], [sflag:$0x2], $0x400, s19, s9, $0x38;
	[tilespmem:$0x4100] =	vst v63  }
0xd3: {  	s5 =	rddreg [dreg:$0xb];
	s22 =	sadd.s32 $0x20, s0  }
0xd4: {  	[hbm4b:s22+s9] =	stream.strided.scatter [tilespmem:s5], [sflag:$0x2], $0x400, s19, s9, $0x38;
	[tilespmem:$0x4100] =	vst v63  }
0xd5: {  	s23 =	sadd.s32 $0x200, s0  }
0xd6: {  	[hbm4b:s23+s9] =	stream.strided.scatter [tilespmem:s15], [sflag:$0x2], $0x400, s19, s9, $0x38;
	[tilespmem:$0x4100] =	vst v63  }
0xd7: {  	s24 =	rddreg [dreg:$0xc];
	s25 =	sadd.s32 $0x220, s0  }
0xd8: {  	[hbm4b:s25+s9] =	stream.strided.scatter [tilespmem:s24], [sflag:$0x2], $0x400, s19, s9, $0x38;
	[tilespmem:$0x4100] =	vst v63  }
0xd9: {  	s28 =	sadd.s32 $0x400, s0  }
0xda: {  	[hbm4b:s28+s9] =	stream.strided.scatter [tilespmem:s16], [sflag:$0x2], $0x400, s19, s9, $0x38;
	[tilespmem:$0x4100] =	vst v63  }
0xdb: {  	s29 =	sadd.s32 $0x420, s0;
	s26 =	rddreg [dreg:$0xd]  }
0xdc: {  	[hbm4b:s29+s9] =	stream.strided.scatter [tilespmem:s26], [sflag:$0x2], $0x400, s19, s9, $0x38;
	[tilespmem:$0x4100] =	vst v63  }
0xdd: {  	s31 =	sadd.s32 $0x600, s0  }
0xde: {  	[hbm4b:s31+s9] =	stream.strided.scatter [tilespmem:s17], [sflag:$0x2], $0x400, s19, s9, $0x38;
	[tilespmem:$0x4100] =	vst v63  }
0xdf: {  	s30 =	rddreg [dreg:$0xe];
	s0 =	sadd.s32 $0x620, s0  }
0xe0: {  	[hbm4b:s0+s9] =	stream.strided.scatter [tilespmem:s30], [sflag:$0x2], $0x400, s19, s9, $0x38;
	[tilespmem:$0x4100] =	vst v63  }
0xe1: {  	_ =	swait.ge [sflag:s20], $0x2000  }
0xe2: {  	[sflag:s20] =	ssyncset.done $0x0  }
0xe3: {  	[sflag:s20] =	ssyncadd.s32 $0xFFFFE000  }
0xe4: {  	_ =	swait.ge [sflag:s20], $0x2000  }
0xe5: {  	[sflag:s20] =	ssyncset.done $0x0  }
0xe6: {  	[sflag:s20] =	ssyncadd.s32 $0xFFFFE000  }
0xe7: {  	_ =	swait.ge [sflag:s20], $0x2000  }
0xe8: {  	[sflag:s20] =	ssyncset.done $0x0  }
0xe9: {  	[sflag:s20] =	ssyncadd.s32 $0xFFFFE000  }
0xea: {  	_ =	swait.ge [sflag:s20], $0x2000  }
0xeb: {  	[sflag:s20] =	ssyncset.done $0x0  }
0xec: {  	[sflag:s20] =	ssyncadd.s32 $0xFFFFE000  }
0xed: {  	_ =	swait.ge [sflag:s20], $0x2000  }
0xee: {  	[sflag:s20] =	ssyncset.done $0x0  }
0xef: {  	[sflag:s20] =	ssyncadd.s32 $0xFFFFE000  }
0xf0: {  	_ =	swait.ge [sflag:s20], $0x2000  }
0xf1: {  	[sflag:s20] =	ssyncset.done $0x0  }
0xf2: {  	[sflag:s20] =	ssyncadd.s32 $0xFFFFE000  }
0xf3: {  	_ =	swait.ge [sflag:s20], $0x2000  }
0xf4: {  	[sflag:s20] =	ssyncset.done $0x0  }
0xf5: {  	[sflag:s20] =	ssyncadd.s32 $0xFFFFE000  }
0xf6: {  	_ =	swait.ge [sflag:s20], $0x2000  }
0xf7: {  	[sflag:s20] =	ssyncset.done $0x0  }
0xf8: {  	[sflag:s20] =	ssyncadd.s32 $0xFFFFE000  }
0xf9: {  	_ =	swait.ge [sflag:s20], $0x2000  }
0xfa: {  	[sflag:s20] =	ssyncset.done $0x0  }
0xfb: {  	[sflag:s20] =	ssyncadd.s32 $0xFFFFE000  }
0xfc: {  	_ =	swait.ge [sflag:s20], $0x2000  }
0xfd: {  	[sflag:s20] =	ssyncset.done $0x0  }
0xfe: {  	[sflag:s20] =	ssyncadd.s32 $0xFFFFE000  }
0xff: {  	_ =	swait.ge [sflag:s20], $0x2000  }
0x100: {  	[sflag:s20] =	ssyncset.done $0x0  }
0x101: {  	[sflag:s20] =	ssyncadd.s32 $0xFFFFE000  }
0x102: {  	_ =	swait.ge [sflag:s20], $0x2000  }
0x103: {  	[sflag:s20] =	ssyncset.done $0x0  }
0x104: {  	[sflag:s20] =	ssyncadd.s32 $0xFFFFE000  }
0x105: {  	_ =	swait.ge [sflag:s20], $0x2000  }
0x106: {  	[sflag:s20] =	ssyncset.done $0x0  }
0x107: {  	[sflag:s20] =	ssyncadd.s32 $0xFFFFE000  }
0x108: {  	_ =	swait.ge [sflag:s20], $0x2000  }
0x109: {  	[sflag:s20] =	ssyncset.done $0x0  }
0x10a: {  	[sflag:s20] =	ssyncadd.s32 $0xFFFFE000  }
0x10b: {  	_ =	swait.ge [sflag:s20], $0x2000  }
0x10c: {  	[sflag:s20] =	ssyncset.done $0x0  }
0x10d: {  	[sflag:s20] =	ssyncadd.s32 $0xFFFFE000  }
0x10e: {  	_ =	swait.ge [sflag:s20], $0x2000  }
0x10f: {  	[sflag:s20] =	ssyncset.done $0x0  }
0x110: {  	[sflag:s20] =	ssyncadd.s32 $0xFFFFE000  }
0x111: {  	_ =	swait.ge [sflag:s20], $0x2000  }
0x112: {  	[sflag:s20] =	ssyncset.done $0x0  }
0x113: {  	[sflag:s20] =	ssyncadd.s32 $0xFFFFE000  }
0x114: {  	_ =	swait.ge [sflag:s20], $0x2000  }
0x115: {  	[sflag:s20] =	ssyncset.done $0x0  }
0x116: {  	[sflag:s20] =	ssyncadd.s32 $0xFFFFE000  }
0x117: {  	_ =	swait.ge [sflag:s20], $0x2000  }
0x118: {  	[sflag:s20] =	ssyncset.done $0x0  }
0x119: {  	[sflag:s20] =	ssyncadd.s32 $0xFFFFE000  }
0x11a: {  	_ =	swait.ge [sflag:s20], $0x2000  }
0x11b: {  	[sflag:s20] =	ssyncset.done $0x0  }
0x11c: {  	[sflag:s20] =	ssyncadd.s32 $0xFFFFE000  }
0x11d: {  	_ =	swait.ge [sflag:s20], $0x2000  }
0x11e: {  	[sflag:s20] =	ssyncset.done $0x0  }
0x11f: {  	[sflag:s20] =	ssyncadd.s32 $0xFFFFE000  }
0x120: {  	_ =	swait.ge [sflag:s20], $0x2000  }
0x121: {  	[sflag:s20] =	ssyncset.done $0x0  }
0x122: {  	[sflag:s20] =	ssyncadd.s32 $0xFFFFE000  }
0x123: {  	_ =	swait.ge [sflag:s20], $0x2000  }
0x124: {  	[sflag:s20] =	ssyncset.done $0x0  }
0x125: {  	[sflag:s20] =	ssyncadd.s32 $0xFFFFE000  }
0x126: {  	_ =	swait.ge [sflag:s20], $0x2000  }
0x127: {  	[sflag:s20] =	ssyncset.done $0x0  }
0x128: {  	[sflag:s20] =	ssyncadd.s32 $0xFFFFE000  }
0x129: {  	_ =	swait.ge [sflag:s20], $0x2000  }
0x12a: {  	[sflag:s20] =	ssyncset.done $0x0  }
0x12b: {  	[sflag:s20] =	ssyncadd.s32 $0xFFFFE000  }
0x12c: {  	_ =	swait.ge [sflag:s20], $0x2000  }
0x12d: {  	[sflag:s20] =	ssyncset.done $0x0  }
0x12e: {  	[sflag:s20] =	ssyncadd.s32 $0xFFFFE000  }
0x12f: {  	_ =	swait.ge [sflag:s20], $0x2000  }
0x130: {  	[sflag:s20] =	ssyncset.done $0x0  }
0x131: {  	[sflag:s20] =	ssyncadd.s32 $0xFFFFE000  }
0x132: {  	_ =	swait.ge [sflag:s20], $0x2000  }
0x133: {  	[sflag:s20] =	ssyncset.done $0x0  }
0x134: {  	[sflag:s20] =	ssyncadd.s32 $0xFFFFE000  }
0x135: {  	_ =	swait.ge [sflag:s20], $0x2000  }
0x136: {  	[sflag:s20] =	ssyncset.done $0x0  }
0x137: {  	[sflag:s20] =	ssyncadd.s32 $0xFFFFE000  }
0x138: {  	_ =	swait.ge [sflag:s20], $0x2000  }
0x139: {  	[sflag:s20] =	ssyncset.done $0x0  }
0x13a: {  	s21 =	sadd.s32 $0x1, s21;
	[sflag:s20] =	ssyncadd.s32 $0xFFFFE000  }
0x13b: {  	p0 =	sne.s32 s21, s7;
	_ =	swait.ge [sflag:s20], $0x2000  }
.Ltmp4:
0x13c: {  	[sflag:s20] =	ssyncset.done $0x0;
	(pc) =	sbr.rel @p0 .LBB2_1-.Ltmp4, $4  }
.Ltmp5:
0x13d: {  	[sflag:s20] =	ssyncadd.s32 $0xFFFFE000;
	(pc) =	sbr.rel @!p0 .LBB2_10-.Ltmp5, $4  }
0x13e: {  	_ =	swait.ge [sflag:s20], $0x2000  }
0x13f: {  	[sflag:s20] =	ssyncset.done $0x0  }
0x140: {  	[sflag:s20] =	ssyncadd.s32 $0xFFFFE000  }
0x141: {  	_ = 	snop  }
.LBB2_2:
.Ltmp6:
0x142: {  	(pc) =	sbr.rel .LBB2_9-.Ltmp6, $2  }
0x143: {  	_ =	sdelay $0x2  }
0x144: {  	s23 =	simm.s32 $0xFFFFFFF0;
	s22 =	simm.s32 $0x0  }
.LBB2_4:
.Ltmp7:
0x145: {  	(pc) =	sbr.rel .LBB2_9-.Ltmp7, $2  }
0x146: {  	_ =	sdelay $0x2  }
0x147: {  	_ = 	snop  }
.LBB2_6:
.Ltmp8:
0x148: {  	(pc) =	sbr.rel .LBB2_9-.Ltmp8, $2  }
0x149: {  	_ =	sdelay $0x2  }
0x14a: {  	s23 =	simm.s32 $0xFFFFFFF2  }
.LBB2_10:
0x14b: {  	_ =	sfence.sel $0x180000  }
0x14c: {  	[bflag:$0x0] =	sbarrier.arrive $0xFFFF  }
0x14d: {  	_ =	strace $0x90000047  }
0x14e: {  	s0 =	stileid.u32;
	[bflag:$0x2] =	sbarrier.arrive $0xFFFF  }
0x14f: {  	p0 =	sne.s32 s0, $0x0;
	s0 =	rddreg [dreg:$0x3]  }
0x150: {  	s0 =	sadd.s32 @!p0 $0x100000, s0  }
0x151: {  	[sflag:s0] =	ssyncadd.tile.s32 @!p0 $0x1;
	_ =	shalt  }
.Lfunc_end2:
_tile_overlayer_lowered:
.L_overlay_start_2:
0x152: {  	(tag) =	ssettag $0x2  }
0x153: {  	s0 =	rddreg [dreg:$0x0];
	s2 =	stileid.u32  }
0x154: {  	s1 =	rddreg [dreg:$0x1];
	p0 =	sne.s32 s2, $0x0  }
0x155: {  	s3 =	rddreg [dreg:$0x2];
	[bflag:$0x3] =	sbarrier.arrive $0xFFFF;
	s2 =	simm.s32 @!p0 $0x1C03  }
0x156: {  	[timem:s3], [sflag:s2] =	dma.local @!p0 [hbm:s0], s1  }
0x157: {  	s0 =	simm.s32 @!p0 $0x3  }
0x158: {  	_ =	swait.ge @!p0 [sflag:s0], s1  }
0x159: {  	s1 =	ssub.s32 @!p0 $0x0, s1;
	[sflag:s0] =	ssyncset.done @!p0 $0x0  }
0x15a: {  	[sflag:s0] =	ssyncadd.s32 @!p0 s1  }
0x15b: {  	[bflag:$0x3] =	sbarrier.arrive $0xFFFF  }
0x15c: {  	_ =	shalt  }

</sc_bundles>
